<compile_context>
chip_gen: v7x
topology: tpu7x:2x2x1
jax: 0.10.2.dev20260603
libtpu: 0.0.44.dev20260713+nightly
codegen_flags: <defaults>
</compile_context>

<pallas_src>
import jax
import jax.numpy as jnp
from jax import lax
from jax.experimental import pallas as pl
from jax.experimental.pallas import tpu as pltpu
from jax.experimental.pallas import tpu_sc as plsc

NC, NS, L = 2, 16, 16
NW = NC * NS
R, N = 128, 32768
ROWS_PER_W = R // NW
NVR = N // L
BLK = 8
NBLK = NVR // BLK
K = 50
OUTW = 72

NEG_INF = float("-inf")
BIG_I = 0x3FFFFFFF


def _lane():
    return lax.iota(jnp.int32, L)


def _shuffle(a, perm):
    return lax.gather(
        a, perm.reshape(L, 1),
        lax.GatherDimensionNumbers(
            offset_dims=(), collapsed_slice_dims=(0,), start_index_map=(0,)),
        (1,), mode=lax.GatherScatterMode.PROMISE_IN_BOUNDS)


def _bfly(a, op):
    lane = _lane()
    for sh in (1, 2, 4, 8):
        a = op(a, _shuffle(a, lane ^ sh))
    return a


def _scalar(a):
    return jnp.squeeze(lax.slice(a, (0,), (1,)))


def _vsqrt(x):
    bits = lax.bitcast_convert_type(x, jnp.int32)
    y = lax.bitcast_convert_type(
        (bits >> 1) + jnp.int32(0x1FBD1DF5), jnp.float32)
    for _ in range(3):
        y = 0.5 * (y + x / y)
    return y


def _sc_body(x_hbm, out_hbm, row_v, bufv, bufi, stats):
    wid = lax.axis_index("s") * NC + lax.axis_index("c")
    lane = _lane()
    ninf = jnp.full((L,), NEG_INF, jnp.float32)
    zero = jnp.zeros((L,), jnp.float32)

    def do_row(r, _):
        row = wid * ROWS_PER_W + r
        pltpu.sync_copy(x_hbm.at[row], row_v)

        def p1(i, ts):
            t0, t1, t2, t3 = ts
            for u in range(BLK):
                v = row_v[pl.ds((i * BLK + u) * L, L)]
                hi = jnp.maximum(t0, v); v = jnp.minimum(t0, v); t0 = hi
                hi = jnp.maximum(t1, v); v = jnp.minimum(t1, v); t1 = hi
                hi = jnp.maximum(t2, v); v = jnp.minimum(t2, v); t2 = hi
                t3 = jnp.maximum(t3, v)
            return t0, t1, t2, t3

        _, _, _, t3 = lax.fori_loop(0, NBLK, p1, (ninf, ninf, ninf, ninf))
        t = _scalar(_bfly(t3, jnp.minimum))

        def p2(b, ptr):
            base = b * (BLK * L)
            vs = [row_v[pl.ds(base + k * L, L)] for k in range(BLK)]
            bm = vs[0]
            for k in range(1, BLK):
                bm = jnp.maximum(bm, vs[k])
            hit = _scalar(_bfly(bm, jnp.maximum)) >= t

            def append(p):
                hm = jnp.zeros((L,), jnp.int32)
                for k in range(BLK):
                    hm = hm | jnp.where(vs[k] >= t, 1 << k, 0)
                hmsk = _scalar(_bfly(hm, lambda a, b: a | b))
                for k in range(BLK):
                    def app(q, k=k):
                        bufv[pl.ds(q, L)] = jnp.where(vs[k] >= t, vs[k],
                                                      NEG_INF)
                        bufi[pl.ds(q, L)] = lane + (base + k * L)
                        return q + L
                    p = lax.cond(((hmsk >> k) & 1) == 1, app,
                                 lambda q: q, p)
                return p

            return lax.cond(hit, append, lambda p: p, ptr)

        ptr = lax.fori_loop(0, NBLK, p2, jnp.int32(0))
        nb = ptr // L

        def emit(j, carry):
            sumsq, sumidx, maxabs, maxif, o0, o1, o2, o3 = carry

            def q1(k, acc):
                return jnp.maximum(acc, bufv[pl.ds(k * L, L)])

            m = _bfly(lax.fori_loop(0, nb, q1, ninf), jnp.maximum)

            def q2(k, acc):
                v = bufv[pl.ds(k * L, L)]
                ii = bufi[pl.ds(k * L, L)]
                return jnp.minimum(acc, jnp.where(v == m, ii, BIG_I))

            mi = _bfly(
                lax.fori_loop(0, nb, q2, jnp.full((L,), BIG_I, jnp.int32)),
                jnp.minimum)

            def q3(k, _):
                v = bufv[pl.ds(k * L, L)]
                ii = bufi[pl.ds(k * L, L)]
                bufv[pl.ds(k * L, L)] = jnp.where((v == m) & (ii == mi),
                                                  NEG_INF, v)
                return 0

            lax.fori_loop(0, nb, q3, 0)

            mif = mi.astype(jnp.float32)
            in10 = j < 10
            sumsq = sumsq + jnp.where(in10, m * m, zero)
            sumidx = sumidx + jnp.where(in10, mif, zero)
            isf = j == 0
            maxabs = jnp.where(isf, jnp.abs(m), maxabs)
            maxif = jnp.where(isf, mif, maxif)
            o0 = o0 + jnp.where(lane == j, mif, zero)
            o1 = o1 + jnp.where(lane == j - 16, mif, zero)
            o2 = o2 + jnp.where(lane == j - 32, mif, zero)
            o3 = o3 + jnp.where(lane == j - 48, mif, zero)
            return sumsq, sumidx, maxabs, maxif, o0, o1, o2, o3

        sumsq, sumidx, maxabs, maxif, o0, o1, o2, o3 = lax.fori_loop(
            0, K, emit, (zero, zero, zero, zero, zero, zero, zero, zero))

        rms10 = _vsqrt(sumsq * 0.1)
        s0 = (jnp.where(lane == 0, sumidx * 0.1, zero)
              + jnp.where(lane == 1, rms10, zero)
              + jnp.where(lane == 2, maxif, zero)
              + jnp.where(lane == 3, maxabs, zero))
        stats[pl.ds(0, L)] = s0
        stats[pl.ds(8, L)] = o0
        stats[pl.ds(24, L)] = o1
        stats[pl.ds(40, L)] = o2
        stats[pl.ds(56, L)] = o3
        pltpu.sync_copy(stats, out_hbm.at[row])
        return 0

    lax.fori_loop(0, ROWS_PER_W, do_row, 0)


@jax.jit
def kernel(inputs):
    mesh = plsc.VectorSubcoreMesh(core_axis_name="c", subcore_axis_name="s")
    padded = pl.kernel(
        _sc_body,
        out_type=jax.ShapeDtypeStruct((R, OUTW), jnp.float32),
        mesh=mesh,
        scratch_types=[
            pltpu.VMEM((N,), jnp.float32),
            pltpu.VMEM((N,), jnp.float32),
            pltpu.VMEM((N,), jnp.int32),
            pltpu.VMEM((OUTW,), jnp.float32),
        ],
    )(inputs)
    return jnp.concatenate([padded[:, 0:4], padded[:, 8:58]], axis=1)

# --- scband reference (transcript-rebuilt; emitter-appended) ---
"""Pipeline reference for scband-fft-health-state-analysis-36661840839136 (READ-ONLY COPY).

The authoritative reference and input builder live on the scoring server;
editing this copy changes nothing except your own understanding.
"""

import jax, jax.numpy as jnp
import numpy as np


def setup_inputs(seed: int = 0) -> dict:
    key = jax.random.key(seed)
    inputs = jax.random.normal(key, (128, 32768), dtype=jnp.float32)
    return {"inputs": inputs}


def reference(inputs):
    vals10, idx10 = jax.lax.top_k(inputs, 10)
    top_k_mean_freq = jnp.mean(idx10.astype(jnp.float32), axis=1)
    top_k_rms = jnp.sqrt(jnp.mean(vals10 ** 2, axis=1))
    vals1, idx1 = jax.lax.top_k(inputs, 1)
    max_freq = idx1.astype(jnp.float32).squeeze(-1)
    max_rms = jnp.sqrt(jnp.mean(vals1 ** 2, axis=1))
    vals50, idx50 = jax.lax.top_k(inputs, 50)
    top_k_freqs = idx50.astype(jnp.float32)
    stacked_stats = jnp.stack([top_k_mean_freq, top_k_rms, max_freq, max_rms], axis=1)
    stacked_stats = jnp.concatenate([stacked_stats, top_k_freqs], axis=1)
    return stacked_stats.reshape(inputs.shape[0], -1)

if __name__ == "__main__":
    import jax
    _d = setup_inputs()
    print(jax.jit(kernel)(*tuple(_d.values())))

</pallas_src>

<mosaic_0001>
#map = affine_map<(d0, d1) -> (0, 0)>
module attributes {stable_mosaic.version = 14 : i64} {
  func.func @_sc_body(%arg0: i32, %arg1: i32, %arg2: memref<128x32768xf32, #tpu.memory_space<hbm>>, %arg3: memref<128x72xf32, #tpu.memory_space<hbm>>, %arg4: memref<32768xf32, #tpu.memory_space<vmem>>, %arg5: memref<32768xf32, #tpu.memory_space<vmem>>, %arg6: memref<32768xi32, #tpu.memory_space<vmem>>, %arg7: memref<72xf32, #tpu.memory_space<vmem>>) attributes {dimension_semantics = [#tpu.dimension_semantics<core_parallel>, #tpu.dimension_semantics<subcore_parallel>], iteration_bounds = array<i64: 2, 16>, scalar_prefetch = 0 : i64, scratch_operands = 4 : i64, tpu.core_type = #tpu.core_type<sc_vector_subcore>, window_params = [{transform_indices = #map}, {transform_indices = #map}]} {
    %mul3A = arith.constant 2 : i32
    %mul3A_0 = arith.muli %arg1, %mul3A : i32
    %add3A = arith.addi %mul3A_0, %arg0 : i32
    %iota3A = tpu.iota {dimensions = array<i32: 0>} : vector<16xi32>
    %broadcast_in_dim3A = arith.constant 0xFF800000 : f32
    %broadcast_in_dim3A_1 = vector.broadcast %broadcast_in_dim3A : f32 to vector<16xf32>
    %broadcast_in_dim3A_2 = arith.constant 0.000000e+00 : f32
    %broadcast_in_dim3A_3 = vector.broadcast %broadcast_in_dim3A_2 : f32 to vector<16xf32>
    %scan3A = arith.constant 0 : i32
    %scan3A_4 = arith.constant 0 : i32
    %scan3A_5 = arith.constant 4 : i32
    %scan3A_6 = arith.addi %scan3A_4, %scan3A_5 : i32
    %scan3A_7 = arith.constant 1 : i32
    %scan3A_8 = scf.for %scan3A_10 = %scan3A_4 to %scan3A_6 step %scan3A_7 iter_args(%scan3A_11 = %scan3A) -> (i32)  : i32 {
      %mul3A_12 = arith.constant 4 : i32
      %mul3A_13 = arith.muli %add3A, %mul3A_12 : i32
      %add3A_14 = arith.addi %mul3A_13, %scan3A_10 : i32
      "tpu.region"() ({
        %run_scoped3A = tpu.sem_alloc : memref<!tpu.dma_semaphore, #tpu.memory_space<semaphore_mem>>
        %dma_start3A = arith.constant 0 : i32
        %dma_start3A_140 = tpu.memref_slice %arg2[%add3A_14, %dma_start3A] : memref<128x32768xf32, #tpu.memory_space<hbm>> -> memref<1x32768xf32, #tpu.memory_space<hbm>>
        %dma_start3A_141 = tpu.memref_squeeze %dma_start3A_140 : memref<1x32768xf32, #tpu.memory_space<hbm>> -> memref<32768xf32, #tpu.memory_space<hbm>>
        %dma_start3A_142 = arith.constant 0 : i32
        %dma_start3A_143 = tpu.memref_slice %arg2[%add3A_14, %dma_start3A_142] : memref<128x32768xf32, #tpu.memory_space<hbm>> -> memref<1x32768xf32, #tpu.memory_space<hbm>>
        %dma_start3A_144 = tpu.memref_squeeze %dma_start3A_143 : memref<1x32768xf32, #tpu.memory_space<hbm>> -> memref<32768xf32, #tpu.memory_space<hbm>>
        tpu.enqueue_dma source(%dma_start3A_144 : memref<32768xf32, #tpu.memory_space<hbm>>) target(%arg4 : memref<32768xf32, #tpu.memory_space<vmem>>) target_semaphore(%run_scoped3A : memref<!tpu.dma_semaphore, #tpu.memory_space<semaphore_mem>>)
        %dma_wait3A = arith.constant 0 : i32
        %dma_wait3A_145 = tpu.memref_slice %arg2[%add3A_14, %dma_wait3A] : memref<128x32768xf32, #tpu.memory_space<hbm>> -> memref<1x32768xf32, #tpu.memory_space<hbm>>
        %dma_wait3A_146 = tpu.memref_squeeze %dma_wait3A_145 : memref<1x32768xf32, #tpu.memory_space<hbm>> -> memref<32768xf32, #tpu.memory_space<hbm>>
        %dma_wait3A_147 = arith.constant 0 : i32
        %dma_wait3A_148 = tpu.memref_slice %arg2[%add3A_14, %dma_wait3A_147] : memref<128x32768xf32, #tpu.memory_space<hbm>> -> memref<1x32768xf32, #tpu.memory_space<hbm>>
        %dma_wait3A_149 = tpu.memref_squeeze %dma_wait3A_148 : memref<1x32768xf32, #tpu.memory_space<hbm>> -> memref<32768xf32, #tpu.memory_space<hbm>>
        tpu.wait_dma2 semaphore(%run_scoped3A : memref<!tpu.dma_semaphore, #tpu.memory_space<semaphore_mem>>) src(%dma_wait3A_149 : memref<32768xf32, #tpu.memory_space<hbm>>) dst(%arg4 : memref<32768xf32, #tpu.memory_space<vmem>>)
        tpu.yield
      }) : () -> ()
      %scan3A_15 = arith.constant 0 : i32
      %scan3A_16 = arith.constant 256 : i32
      %scan3A_17 = arith.addi %scan3A_15, %scan3A_16 : i32
      %scan3A_18 = arith.constant 1 : i32
      %scan3A_19:4 = scf.for %scan3A_140 = %scan3A_15 to %scan3A_17 step %scan3A_18 iter_args(%scan3A_141 = %broadcast_in_dim3A_1, %scan3A_142 = %broadcast_in_dim3A_1, %scan3A_143 = %broadcast_in_dim3A_1, %scan3A_144 = %broadcast_in_dim3A_1) -> (vector<16xf32>, vector<16xf32>, vector<16xf32>, vector<16xf32>)  : i32 {
        %mul3A_145 = arith.constant 8 : i32
        %mul3A_146 = arith.muli %scan3A_140, %mul3A_145 : i32
        %add3A_147 = arith.constant 0 : i32
        %add3A_148 = arith.addi %mul3A_146, %add3A_147 : i32
        %mul3A_149 = arith.constant 16 : i32
        %mul3A_150 = arith.muli %add3A_148, %mul3A_149 : i32
        %get3A = arith.index_cast %mul3A_150 : i32 to index
        %get3A_151 = tpu.vector_load %arg4[%get3A] {strides = array<i32>} : memref<32768xf32, #tpu.memory_space<vmem>>, vector<16xf32>,
        %get3A_152 = vector.shape_cast %get3A_151 : vector<16xf32> to vector<16xf32>
        %max3A = arith.maximumf %scan3A_141, %get3A_152 : vector<16xf32>
        %min3A_153 = arith.minimumf %scan3A_141, %get3A_152 : vector<16xf32>
        %max3A_154 = arith.maximumf %scan3A_142, %min3A_153 : vector<16xf32>
        %min3A_155 = arith.minimumf %scan3A_142, %min3A_153 : vector<16xf32>
        %max3A_156 = arith.maximumf %scan3A_143, %min3A_155 : vector<16xf32>
        %min3A_157 = arith.minimumf %scan3A_143, %min3A_155 : vector<16xf32>
        %max3A_158 = arith.maximumf %scan3A_144, %min3A_157 : vector<16xf32>
        %mul3A_159 = arith.constant 8 : i32
        %mul3A_160 = arith.muli %scan3A_140, %mul3A_159 : i32
        %add3A_161 = arith.constant 1 : i32
        %add3A_162 = arith.addi %mul3A_160, %add3A_161 : i32
        %mul3A_163 = arith.constant 16 : i32
        %mul3A_164 = arith.muli %add3A_162, %mul3A_163 : i32
        %get3A_165 = arith.index_cast %mul3A_164 : i32 to index
        %get3A_166 = tpu.vector_load %arg4[%get3A_165] {strides = array<i32>} : memref<32768xf32, #tpu.memory_space<vmem>>, vector<16xf32>,
        %get3A_167 = vector.shape_cast %get3A_166 : vector<16xf32> to vector<16xf32>
        %max3A_168 = arith.maximumf %max3A, %get3A_167 : vector<16xf32>
        %min3A_169 = arith.minimumf %max3A, %get3A_167 : vector<16xf32>
        %max3A_170 = arith.maximumf %max3A_154, %min3A_169 : vector<16xf32>
        %min3A_171 = arith.minimumf %max3A_154, %min3A_169 : vector<16xf32>
        %max3A_172 = arith.maximumf %max3A_156, %min3A_171 : vector<16xf32>
        %min3A_173 = arith.minimumf %max3A_156, %min3A_171 : vector<16xf32>
        %max3A_174 = arith.maximumf %max3A_158, %min3A_173 : vector<16xf32>
        %mul3A_175 = arith.constant 8 : i32
        %mul3A_176 = arith.muli %scan3A_140, %mul3A_175 : i32
        %add3A_177 = arith.constant 2 : i32
        %add3A_178 = arith.addi %mul3A_176, %add3A_177 : i32
        %mul3A_179 = arith.constant 16 : i32
        %mul3A_180 = arith.muli %add3A_178, %mul3A_179 : i32
        %get3A_181 = arith.index_cast %mul3A_180 : i32 to index
        %get3A_182 = tpu.vector_load %arg4[%get3A_181] {strides = array<i32>} : memref<32768xf32, #tpu.memory_space<vmem>>, vector<16xf32>,
        %get3A_183 = vector.shape_cast %get3A_182 : vector<16xf32> to vector<16xf32>
        %max3A_184 = arith.maximumf %max3A_168, %get3A_183 : vector<16xf32>
        %min3A_185 = arith.minimumf %max3A_168, %get3A_183 : vector<16xf32>
        %max3A_186 = arith.maximumf %max3A_170, %min3A_185 : vector<16xf32>
        %min3A_187 = arith.minimumf %max3A_170, %min3A_185 : vector<16xf32>
        %max3A_188 = arith.maximumf %max3A_172, %min3A_187 : vector<16xf32>
        %min3A_189 = arith.minimumf %max3A_172, %min3A_187 : vector<16xf32>
        %max3A_190 = arith.maximumf %max3A_174, %min3A_189 : vector<16xf32>
        %mul3A_191 = arith.constant 8 : i32
        %mul3A_192 = arith.muli %scan3A_140, %mul3A_191 : i32
        %add3A_193 = arith.constant 3 : i32
        %add3A_194 = arith.addi %mul3A_192, %add3A_193 : i32
        %mul3A_195 = arith.constant 16 : i32
        %mul3A_196 = arith.muli %add3A_194, %mul3A_195 : i32
        %get3A_197 = arith.index_cast %mul3A_196 : i32 to index
        %get3A_198 = tpu.vector_load %arg4[%get3A_197] {strides = array<i32>} : memref<32768xf32, #tpu.memory_space<vmem>>, vector<16xf32>,
        %get3A_199 = vector.shape_cast %get3A_198 : vector<16xf32> to vector<16xf32>
        %max3A_200 = arith.maximumf %max3A_184, %get3A_199 : vector<16xf32>
        %min3A_201 = arith.minimumf %max3A_184, %get3A_199 : vector<16xf32>
        %max3A_202 = arith.maximumf %max3A_186, %min3A_201 : vector<16xf32>
        %min3A_203 = arith.minimumf %max3A_186, %min3A_201 : vector<16xf32>
        %max3A_204 = arith.maximumf %max3A_188, %min3A_203 : vector<16xf32>
        %min3A_205 = arith.minimumf %max3A_188, %min3A_203 : vector<16xf32>
        %max3A_206 = arith.maximumf %max3A_190, %min3A_205 : vector<16xf32>
        %mul3A_207 = arith.constant 8 : i32
        %mul3A_208 = arith.muli %scan3A_140, %mul3A_207 : i32
        %add3A_209 = arith.constant 4 : i32
        %add3A_210 = arith.addi %mul3A_208, %add3A_209 : i32
        %mul3A_211 = arith.constant 16 : i32
        %mul3A_212 = arith.muli %add3A_210, %mul3A_211 : i32
        %get3A_213 = arith.index_cast %mul3A_212 : i32 to index
        %get3A_214 = tpu.vector_load %arg4[%get3A_213] {strides = array<i32>} : memref<32768xf32, #tpu.memory_space<vmem>>, vector<16xf32>,
        %get3A_215 = vector.shape_cast %get3A_214 : vector<16xf32> to vector<16xf32>
        %max3A_216 = arith.maximumf %max3A_200, %get3A_215 : vector<16xf32>
        %min3A_217 = arith.minimumf %max3A_200, %get3A_215 : vector<16xf32>
        %max3A_218 = arith.maximumf %max3A_202, %min3A_217 : vector<16xf32>
        %min3A_219 = arith.minimumf %max3A_202, %min3A_217 : vector<16xf32>
        %max3A_220 = arith.maximumf %max3A_204, %min3A_219 : vector<16xf32>
        %min3A_221 = arith.minimumf %max3A_204, %min3A_219 : vector<16xf32>
        %max3A_222 = arith.maximumf %max3A_206, %min3A_221 : vector<16xf32>
        %mul3A_223 = arith.constant 8 : i32
        %mul3A_224 = arith.muli %scan3A_140, %mul3A_223 : i32
        %add3A_225 = arith.constant 5 : i32
        %add3A_226 = arith.addi %mul3A_224, %add3A_225 : i32
        %mul3A_227 = arith.constant 16 : i32
        %mul3A_228 = arith.muli %add3A_226, %mul3A_227 : i32
        %get3A_229 = arith.index_cast %mul3A_228 : i32 to index
        %get3A_230 = tpu.vector_load %arg4[%get3A_229] {strides = array<i32>} : memref<32768xf32, #tpu.memory_space<vmem>>, vector<16xf32>,
        %get3A_231 = vector.shape_cast %get3A_230 : vector<16xf32> to vector<16xf32>
        %max3A_232 = arith.maximumf %max3A_216, %get3A_231 : vector<16xf32>
        %min3A_233 = arith.minimumf %max3A_216, %get3A_231 : vector<16xf32>
        %max3A_234 = arith.maximumf %max3A_218, %min3A_233 : vector<16xf32>
        %min3A_235 = arith.minimumf %max3A_218, %min3A_233 : vector<16xf32>
        %max3A_236 = arith.maximumf %max3A_220, %min3A_235 : vector<16xf32>
        %min3A_237 = arith.minimumf %max3A_220, %min3A_235 : vector<16xf32>
        %max3A_238 = arith.maximumf %max3A_222, %min3A_237 : vector<16xf32>
        %mul3A_239 = arith.constant 8 : i32
        %mul3A_240 = arith.muli %scan3A_140, %mul3A_239 : i32
        %add3A_241 = arith.constant 6 : i32
        %add3A_242 = arith.addi %mul3A_240, %add3A_241 : i32
        %mul3A_243 = arith.constant 16 : i32
        %mul3A_244 = arith.muli %add3A_242, %mul3A_243 : i32
        %get3A_245 = arith.index_cast %mul3A_244 : i32 to index
        %get3A_246 = tpu.vector_load %arg4[%get3A_245] {strides = array<i32>} : memref<32768xf32, #tpu.memory_space<vmem>>, vector<16xf32>,
        %get3A_247 = vector.shape_cast %get3A_246 : vector<16xf32> to vector<16xf32>
        %max3A_248 = arith.maximumf %max3A_232, %get3A_247 : vector<16xf32>
        %min3A_249 = arith.minimumf %max3A_232, %get3A_247 : vector<16xf32>
        %max3A_250 = arith.maximumf %max3A_234, %min3A_249 : vector<16xf32>
        %min3A_251 = arith.minimumf %max3A_234, %min3A_249 : vector<16xf32>
        %max3A_252 = arith.maximumf %max3A_236, %min3A_251 : vector<16xf32>
        %min3A_253 = arith.minimumf %max3A_236, %min3A_251 : vector<16xf32>
        %max3A_254 = arith.maximumf %max3A_238, %min3A_253 : vector<16xf32>
        %mul3A_255 = arith.constant 8 : i32
        %mul3A_256 = arith.muli %scan3A_140, %mul3A_255 : i32
        %add3A_257 = arith.constant 7 : i32
        %add3A_258 = arith.addi %mul3A_256, %add3A_257 : i32
        %mul3A_259 = arith.constant 16 : i32
        %mul3A_260 = arith.muli %add3A_258, %mul3A_259 : i32
        %get3A_261 = arith.index_cast %mul3A_260 : i32 to index
        %get3A_262 = tpu.vector_load %arg4[%get3A_261] {strides = array<i32>} : memref<32768xf32, #tpu.memory_space<vmem>>, vector<16xf32>,
        %get3A_263 = vector.shape_cast %get3A_262 : vector<16xf32> to vector<16xf32>
        %max3A_264 = arith.maximumf %max3A_248, %get3A_263 : vector<16xf32>
        %min3A_265 = arith.minimumf %max3A_248, %get3A_263 : vector<16xf32>
        %max3A_266 = arith.maximumf %max3A_250, %min3A_265 : vector<16xf32>
        %min3A_267 = arith.minimumf %max3A_250, %min3A_265 : vector<16xf32>
        %max3A_268 = arith.maximumf %max3A_252, %min3A_267 : vector<16xf32>
        %min3A_269 = arith.minimumf %max3A_252, %min3A_267 : vector<16xf32>
        %max3A_270 = arith.maximumf %max3A_254, %min3A_269 : vector<16xf32>
        scf.yield %max3A_264, %max3A_266, %max3A_268, %max3A_270 : vector<16xf32>, vector<16xf32>, vector<16xf32>, vector<16xf32>
      }
      %scan3A_20 = arith.constant 256 : i32
      %iota3A_21 = tpu.iota {dimensions = array<i32: 0>} : vector<16xi32>
      %xor3A = arith.constant 1 : i32
      %xor3A_22 = vector.broadcast %xor3A : i32 to vector<16xi32>
      %xor3A_23 = arith.xori %iota3A_21, %xor3A_22 : vector<16xi32>
      %reshape3A = vector.shape_cast %xor3A_23 : vector<16xi32> to vector<16x1xi32>
      %gather3A = vector.shape_cast %reshape3A : vector<16x1xi32> to vector<16xi32>
      %gather3A_24 = tpu.dynamic_gather %scan3A_19#3[%gather3A] in [0] : vector<16xf32>, vector<16xi32> -> vector<16xf32>
      %min3A = arith.minimumf %scan3A_19#3, %gather3A_24 : vector<16xf32>
      %xor3A_25 = arith.constant 2 : i32
      %xor3A_26 = vector.broadcast %xor3A_25 : i32 to vector<16xi32>
      %xor3A_27 = arith.xori %iota3A_21, %xor3A_26 : vector<16xi32>
      %reshape3A_28 = vector.shape_cast %xor3A_27 : vector<16xi32> to vector<16x1xi32>
      %gather3A_29 = vector.shape_cast %reshape3A_28 : vector<16x1xi32> to vector<16xi32>
      %gather3A_30 = tpu.dynamic_gather %min3A[%gather3A_29] in [0] : vector<16xf32>, vector<16xi32> -> vector<16xf32>
      %min3A_31 = arith.minimumf %min3A, %gather3A_30 : vector<16xf32>
      %xor3A_32 = arith.constant 4 : i32
      %xor3A_33 = vector.broadcast %xor3A_32 : i32 to vector<16xi32>
      %xor3A_34 = arith.xori %iota3A_21, %xor3A_33 : vector<16xi32>
      %reshape3A_35 = vector.shape_cast %xor3A_34 : vector<16xi32> to vector<16x1xi32>
      %gather3A_36 = vector.shape_cast %reshape3A_35 : vector<16x1xi32> to vector<16xi32>
      %gather3A_37 = tpu.dynamic_gather %min3A_31[%gather3A_36] in [0] : vector<16xf32>, vector<16xi32> -> vector<16xf32>
      %min3A_38 = arith.minimumf %min3A_31, %gather3A_37 : vector<16xf32>
      %xor3A_39 = arith.constant 8 : i32
      %xor3A_40 = vector.broadcast %xor3A_39 : i32 to vector<16xi32>
      %xor3A_41 = arith.xori %iota3A_21, %xor3A_40 : vector<16xi32>
      %reshape3A_42 = vector.shape_cast %xor3A_41 : vector<16xi32> to vector<16x1xi32>
      %gather3A_43 = vector.shape_cast %reshape3A_42 : vector<16x1xi32> to vector<16xi32>
      %gather3A_44 = tpu.dynamic_gather %min3A_38[%gather3A_43] in [0] : vector<16xf32>, vector<16xi32> -> vector<16xf32>
      %min3A_45 = arith.minimumf %min3A_38, %gather3A_44 : vector<16xf32>
      %slice3A = vector.extract_strided_slice %min3A_45 {offsets = [0], sizes = [1], strides = [1]} : vector<16xf32> to vector<1xf32>
      %squeeze3A = vector.extract %slice3A[0] : f32 from vector<1xf32>
      %scan3A_46 = arith.constant 0 : i32
      %scan3A_47 = arith.constant 0 : i32
      %scan3A_48 = arith.constant 256 : i32
      %scan3A_49 = arith.addi %scan3A_47, %scan3A_48 : i32
      %scan3A_50 = arith.constant 1 : i32
      %scan3A_51 = scf.for %scan3A_140 = %scan3A_47 to %scan3A_49 step %scan3A_50 iter_args(%scan3A_141 = %scan3A_46) -> (i32)  : i32 {
        %mul3A_142 = arith.constant 128 : i32
        %mul3A_143 = arith.muli %scan3A_140, %mul3A_142 : i32
        %add3A_144 = arith.constant 0 : i32
        %add3A_145 = arith.addi %mul3A_143, %add3A_144 : i32
        %get3A = arith.index_cast %add3A_145 : i32 to index
        %get3A_146 = tpu.vector_load %arg4[%get3A] {strides = array<i32>} : memref<32768xf32, #tpu.memory_space<vmem>>, vector<16xf32>,
        %get3A_147 = vector.shape_cast %get3A_146 : vector<16xf32> to vector<16xf32>
        %add3A_148 = arith.constant 16 : i32
        %add3A_149 = arith.addi %mul3A_143, %add3A_148 : i32
        %get3A_150 = arith.index_cast %add3A_149 : i32 to index
        %get3A_151 = tpu.vector_load %arg4[%get3A_150] {strides = array<i32>} : memref<32768xf32, #tpu.memory_space<vmem>>, vector<16xf32>,
        %get3A_152 = vector.shape_cast %get3A_151 : vector<16xf32> to vector<16xf32>
        %add3A_153 = arith.constant 32 : i32
        %add3A_154 = arith.addi %mul3A_143, %add3A_153 : i32
        %get3A_155 = arith.index_cast %add3A_154 : i32 to index
        %get3A_156 = tpu.vector_load %arg4[%get3A_155] {strides = array<i32>} : memref<32768xf32, #tpu.memory_space<vmem>>, vector<16xf32>,
        %get3A_157 = vector.shape_cast %get3A_156 : vector<16xf32> to vector<16xf32>
        %add3A_158 = arith.constant 48 : i32
        %add3A_159 = arith.addi %mul3A_143, %add3A_158 : i32
        %get3A_160 = arith.index_cast %add3A_159 : i32 to index
        %get3A_161 = tpu.vector_load %arg4[%get3A_160] {strides = array<i32>} : memref<32768xf32, #tpu.memory_space<vmem>>, vector<16xf32>,
        %get3A_162 = vector.shape_cast %get3A_161 : vector<16xf32> to vector<16xf32>
        %add3A_163 = arith.constant 64 : i32
        %add3A_164 = arith.addi %mul3A_143, %add3A_163 : i32
        %get3A_165 = arith.index_cast %add3A_164 : i32 to index
        %get3A_166 = tpu.vector_load %arg4[%get3A_165] {strides = array<i32>} : memref<32768xf32, #tpu.memory_space<vmem>>, vector<16xf32>,
        %get3A_167 = vector.shape_cast %get3A_166 : vector<16xf32> to vector<16xf32>
        %add3A_168 = arith.constant 80 : i32
        %add3A_169 = arith.addi %mul3A_143, %add3A_168 : i32
        %get3A_170 = arith.index_cast %add3A_169 : i32 to index
        %get3A_171 = tpu.vector_load %arg4[%get3A_170] {strides = array<i32>} : memref<32768xf32, #tpu.memory_space<vmem>>, vector<16xf32>,
        %get3A_172 = vector.shape_cast %get3A_171 : vector<16xf32> to vector<16xf32>
        %add3A_173 = arith.constant 96 : i32
        %add3A_174 = arith.addi %mul3A_143, %add3A_173 : i32
        %get3A_175 = arith.index_cast %add3A_174 : i32 to index
        %get3A_176 = tpu.vector_load %arg4[%get3A_175] {strides = array<i32>} : memref<32768xf32, #tpu.memory_space<vmem>>, vector<16xf32>,
        %get3A_177 = vector.shape_cast %get3A_176 : vector<16xf32> to vector<16xf32>
        %add3A_178 = arith.constant 112 : i32
        %add3A_179 = arith.addi %mul3A_143, %add3A_178 : i32
        %get3A_180 = arith.index_cast %add3A_179 : i32 to index
        %get3A_181 = tpu.vector_load %arg4[%get3A_180] {strides = array<i32>} : memref<32768xf32, #tpu.memory_space<vmem>>, vector<16xf32>,
        %get3A_182 = vector.shape_cast %get3A_181 : vector<16xf32> to vector<16xf32>
        %max3A = arith.maximumf %get3A_147, %get3A_152 : vector<16xf32>
        %max3A_183 = arith.maximumf %max3A, %get3A_157 : vector<16xf32>
        %max3A_184 = arith.maximumf %max3A_183, %get3A_162 : vector<16xf32>
        %max3A_185 = arith.maximumf %max3A_184, %get3A_167 : vector<16xf32>
        %max3A_186 = arith.maximumf %max3A_185, %get3A_172 : vector<16xf32>
        %max3A_187 = arith.maximumf %max3A_186, %get3A_177 : vector<16xf32>
        %max3A_188 = arith.maximumf %max3A_187, %get3A_182 : vector<16xf32>
        %iota3A_189 = tpu.iota {dimensions = array<i32: 0>} : vector<16xi32>
        %xor3A_190 = arith.constant 1 : i32
        %xor3A_191 = vector.broadcast %xor3A_190 : i32 to vector<16xi32>
        %xor3A_192 = arith.xori %iota3A_189, %xor3A_191 : vector<16xi32>
        %reshape3A_193 = vector.shape_cast %xor3A_192 : vector<16xi32> to vector<16x1xi32>
        %gather3A_194 = vector.shape_cast %reshape3A_193 : vector<16x1xi32> to vector<16xi32>
        %gather3A_195 = tpu.dynamic_gather %max3A_188[%gather3A_194] in [0] : vector<16xf32>, vector<16xi32> -> vector<16xf32>
        %max3A_196 = arith.maximumf %max3A_188, %gather3A_195 : vector<16xf32>
        %xor3A_197 = arith.constant 2 : i32
        %xor3A_198 = vector.broadcast %xor3A_197 : i32 to vector<16xi32>
        %xor3A_199 = arith.xori %iota3A_189, %xor3A_198 : vector<16xi32>
        %reshape3A_200 = vector.shape_cast %xor3A_199 : vector<16xi32> to vector<16x1xi32>
        %gather3A_201 = vector.shape_cast %reshape3A_200 : vector<16x1xi32> to vector<16xi32>
        %gather3A_202 = tpu.dynamic_gather %max3A_196[%gather3A_201] in [0] : vector<16xf32>, vector<16xi32> -> vector<16xf32>
        %max3A_203 = arith.maximumf %max3A_196, %gather3A_202 : vector<16xf32>
        %xor3A_204 = arith.constant 4 : i32
        %xor3A_205 = vector.broadcast %xor3A_204 : i32 to vector<16xi32>
        %xor3A_206 = arith.xori %iota3A_189, %xor3A_205 : vector<16xi32>
        %reshape3A_207 = vector.shape_cast %xor3A_206 : vector<16xi32> to vector<16x1xi32>
        %gather3A_208 = vector.shape_cast %reshape3A_207 : vector<16x1xi32> to vector<16xi32>
        %gather3A_209 = tpu.dynamic_gather %max3A_203[%gather3A_208] in [0] : vector<16xf32>, vector<16xi32> -> vector<16xf32>
        %max3A_210 = arith.maximumf %max3A_203, %gather3A_209 : vector<16xf32>
        %xor3A_211 = arith.constant 8 : i32
        %xor3A_212 = vector.broadcast %xor3A_211 : i32 to vector<16xi32>
        %xor3A_213 = arith.xori %iota3A_189, %xor3A_212 : vector<16xi32>
        %reshape3A_214 = vector.shape_cast %xor3A_213 : vector<16xi32> to vector<16x1xi32>
        %gather3A_215 = vector.shape_cast %reshape3A_214 : vector<16x1xi32> to vector<16xi32>
        %gather3A_216 = tpu.dynamic_gather %max3A_210[%gather3A_215] in [0] : vector<16xf32>, vector<16xi32> -> vector<16xf32>
        %max3A_217 = arith.maximumf %max3A_210, %gather3A_216 : vector<16xf32>
        %slice3A_218 = vector.extract_strided_slice %max3A_217 {offsets = [0], sizes = [1], strides = [1]} : vector<16xf32> to vector<1xf32>
        %squeeze3A_219 = vector.extract %slice3A_218[0] : f32 from vector<1xf32>
        %ge3A = arith.cmpf oge, %squeeze3A_219, %squeeze3A : f32
        %convert_element_type3A = arith.extui %ge3A : i1 to i32
        %cond3A = arith.constant 0 : i32
        %cond3A_220 = arith.cmpi ne, %convert_element_type3A, %cond3A : i32
        %cond3A_221 = scf.if %cond3A_220 -> (i32) {
          %broadcast_in_dim3A_222 = arith.constant 0 : i32
          %broadcast_in_dim3A_223 = vector.broadcast %broadcast_in_dim3A_222 : i32 to vector<16xi32>
          %ge3A_224 = vector.broadcast %squeeze3A : f32 to vector<16xf32>
          %ge3A_225 = arith.cmpf oge, %get3A_147, %ge3A_224 : vector<16xf32>
          %jit3A_226 = arith.constant 1 : i32
          %jit3A_227 = arith.constant 0 : i32
          %broadcast_in_dim3A_228 = vector.broadcast %jit3A_226 : i32 to vector<16xi32>
          %broadcast_in_dim3A_229 = vector.broadcast %jit3A_227 : i32 to vector<16xi32>
          %select_n3A_230 = arith.select %ge3A_225, %broadcast_in_dim3A_228, %broadcast_in_dim3A_229 : vector<16xi1>, vector<16xi32>
          %or3A = arith.ori %broadcast_in_dim3A_223, %select_n3A_230 : vector<16xi32>
          %ge3A_231 = vector.broadcast %squeeze3A : f32 to vector<16xf32>
          %ge3A_232 = arith.cmpf oge, %get3A_152, %ge3A_231 : vector<16xf32>
          %jit3A_233 = arith.constant 2 : i32
          %jit3A_234 = arith.constant 0 : i32
          %broadcast_in_dim3A_235 = vector.broadcast %jit3A_233 : i32 to vector<16xi32>
          %broadcast_in_dim3A_236 = vector.broadcast %jit3A_234 : i32 to vector<16xi32>
          %select_n3A_237 = arith.select %ge3A_232, %broadcast_in_dim3A_235, %broadcast_in_dim3A_236 : vector<16xi1>, vector<16xi32>
          %or3A_238 = arith.ori %or3A, %select_n3A_237 : vector<16xi32>
          %ge3A_239 = vector.broadcast %squeeze3A : f32 to vector<16xf32>
          %ge3A_240 = arith.cmpf oge, %get3A_157, %ge3A_239 : vector<16xf32>
          %jit3A_241 = arith.constant 4 : i32
          %jit3A_242 = arith.constant 0 : i32
          %broadcast_in_dim3A_243 = vector.broadcast %jit3A_241 : i32 to vector<16xi32>
          %broadcast_in_dim3A_244 = vector.broadcast %jit3A_242 : i32 to vector<16xi32>
          %select_n3A_245 = arith.select %ge3A_240, %broadcast_in_dim3A_243, %broadcast_in_dim3A_244 : vector<16xi1>, vector<16xi32>
          %or3A_246 = arith.ori %or3A_238, %select_n3A_245 : vector<16xi32>
          %ge3A_247 = vector.broadcast %squeeze3A : f32 to vector<16xf32>
          %ge3A_248 = arith.cmpf oge, %get3A_162, %ge3A_247 : vector<16xf32>
          %jit3A_249 = arith.constant 8 : i32
          %jit3A_250 = arith.constant 0 : i32
          %broadcast_in_dim3A_251 = vector.broadcast %jit3A_249 : i32 to vector<16xi32>
          %broadcast_in_dim3A_252 = vector.broadcast %jit3A_250 : i32 to vector<16xi32>
          %select_n3A_253 = arith.select %ge3A_248, %broadcast_in_dim3A_251, %broadcast_in_dim3A_252 : vector<16xi1>, vector<16xi32>
          %or3A_254 = arith.ori %or3A_246, %select_n3A_253 : vector<16xi32>
          %ge3A_255 = vector.broadcast %squeeze3A : f32 to vector<16xf32>
          %ge3A_256 = arith.cmpf oge, %get3A_167, %ge3A_255 : vector<16xf32>
          %jit3A_257 = arith.constant 16 : i32
          %jit3A_258 = arith.constant 0 : i32
          %broadcast_in_dim3A_259 = vector.broadcast %jit3A_257 : i32 to vector<16xi32>
          %broadcast_in_dim3A_260 = vector.broadcast %jit3A_258 : i32 to vector<16xi32>
          %select_n3A_261 = arith.select %ge3A_256, %broadcast_in_dim3A_259, %broadcast_in_dim3A_260 : vector<16xi1>, vector<16xi32>
          %or3A_262 = arith.ori %or3A_254, %select_n3A_261 : vector<16xi32>
          %ge3A_263 = vector.broadcast %squeeze3A : f32 to vector<16xf32>
          %ge3A_264 = arith.cmpf oge, %get3A_172, %ge3A_263 : vector<16xf32>
          %jit3A_265 = arith.constant 32 : i32
          %jit3A_266 = arith.constant 0 : i32
          %broadcast_in_dim3A_267 = vector.broadcast %jit3A_265 : i32 to vector<16xi32>
          %broadcast_in_dim3A_268 = vector.broadcast %jit3A_266 : i32 to vector<16xi32>
          %select_n3A_269 = arith.select %ge3A_264, %broadcast_in_dim3A_267, %broadcast_in_dim3A_268 : vector<16xi1>, vector<16xi32>
          %or3A_270 = arith.ori %or3A_262, %select_n3A_269 : vector<16xi32>
          %ge3A_271 = vector.broadcast %squeeze3A : f32 to vector<16xf32>
          %ge3A_272 = arith.cmpf oge, %get3A_177, %ge3A_271 : vector<16xf32>
          %jit3A_273 = arith.constant 64 : i32
          %jit3A_274 = arith.constant 0 : i32
          %broadcast_in_dim3A_275 = vector.broadcast %jit3A_273 : i32 to vector<16xi32>
          %broadcast_in_dim3A_276 = vector.broadcast %jit3A_274 : i32 to vector<16xi32>
          %select_n3A_277 = arith.select %ge3A_272, %broadcast_in_dim3A_275, %broadcast_in_dim3A_276 : vector<16xi1>, vector<16xi32>
          %or3A_278 = arith.ori %or3A_270, %select_n3A_277 : vector<16xi32>
          %ge3A_279 = vector.broadcast %squeeze3A : f32 to vector<16xf32>
          %ge3A_280 = arith.cmpf oge, %get3A_182, %ge3A_279 : vector<16xf32>
          %jit3A_281 = arith.constant 128 : i32
          %jit3A_282 = arith.constant 0 : i32
          %broadcast_in_dim3A_283 = vector.broadcast %jit3A_281 : i32 to vector<16xi32>
          %broadcast_in_dim3A_284 = vector.broadcast %jit3A_282 : i32 to vector<16xi32>
          %select_n3A_285 = arith.select %ge3A_280, %broadcast_in_dim3A_283, %broadcast_in_dim3A_284 : vector<16xi1>, vector<16xi32>
          %or3A_286 = arith.ori %or3A_278, %select_n3A_285 : vector<16xi32>
          %iota3A_287 = tpu.iota {dimensions = array<i32: 0>} : vector<16xi32>
          %xor3A_288 = arith.constant 1 : i32
          %xor3A_289 = vector.broadcast %xor3A_288 : i32 to vector<16xi32>
          %xor3A_290 = arith.xori %iota3A_287, %xor3A_289 : vector<16xi32>
          %reshape3A_291 = vector.shape_cast %xor3A_290 : vector<16xi32> to vector<16x1xi32>
          %gather3A_292 = vector.shape_cast %reshape3A_291 : vector<16x1xi32> to vector<16xi32>
          %gather3A_293 = tpu.dynamic_gather %or3A_286[%gather3A_292] in [0] : vector<16xi32>, vector<16xi32> -> vector<16xi32>
          %or3A_294 = arith.ori %or3A_286, %gather3A_293 : vector<16xi32>
          %xor3A_295 = arith.constant 2 : i32
          %xor3A_296 = vector.broadcast %xor3A_295 : i32 to vector<16xi32>
          %xor3A_297 = arith.xori %iota3A_287, %xor3A_296 : vector<16xi32>
          %reshape3A_298 = vector.shape_cast %xor3A_297 : vector<16xi32> to vector<16x1xi32>
          %gather3A_299 = vector.shape_cast %reshape3A_298 : vector<16x1xi32> to vector<16xi32>
          %gather3A_300 = tpu.dynamic_gather %or3A_294[%gather3A_299] in [0] : vector<16xi32>, vector<16xi32> -> vector<16xi32>
          %or3A_301 = arith.ori %or3A_294, %gather3A_300 : vector<16xi32>
          %xor3A_302 = arith.constant 4 : i32
          %xor3A_303 = vector.broadcast %xor3A_302 : i32 to vector<16xi32>
          %xor3A_304 = arith.xori %iota3A_287, %xor3A_303 : vector<16xi32>
          %reshape3A_305 = vector.shape_cast %xor3A_304 : vector<16xi32> to vector<16x1xi32>
          %gather3A_306 = vector.shape_cast %reshape3A_305 : vector<16x1xi32> to vector<16xi32>
          %gather3A_307 = tpu.dynamic_gather %or3A_301[%gather3A_306] in [0] : vector<16xi32>, vector<16xi32> -> vector<16xi32>
          %or3A_308 = arith.ori %or3A_301, %gather3A_307 : vector<16xi32>
          %xor3A_309 = arith.constant 8 : i32
          %xor3A_310 = vector.broadcast %xor3A_309 : i32 to vector<16xi32>
          %xor3A_311 = arith.xori %iota3A_287, %xor3A_310 : vector<16xi32>
          %reshape3A_312 = vector.shape_cast %xor3A_311 : vector<16xi32> to vector<16x1xi32>
          %gather3A_313 = vector.shape_cast %reshape3A_312 : vector<16x1xi32> to vector<16xi32>
          %gather3A_314 = tpu.dynamic_gather %or3A_308[%gather3A_313] in [0] : vector<16xi32>, vector<16xi32> -> vector<16xi32>
          %or3A_315 = arith.ori %or3A_308, %gather3A_314 : vector<16xi32>
          %slice3A_316 = vector.extract_strided_slice %or3A_315 {offsets = [0], sizes = [1], strides = [1]} : vector<16xi32> to vector<1xi32>
          %squeeze3A_317 = vector.extract %slice3A_316[0] : i32 from vector<1xi32>
          %shift_right_arithmetic3A_318 = arith.constant 0 : i32
          %shift_right_arithmetic3A_319 = arith.shrsi %squeeze3A_317, %shift_right_arithmetic3A_318 : i32
          %and3A_320 = arith.constant 1 : i32
          %and3A_321 = arith.andi %shift_right_arithmetic3A_319, %and3A_320 : i32
          %eq3A_322 = arith.constant 1 : i32
          %eq3A_323 = arith.cmpi eq, %and3A_321, %eq3A_322 : i32
          %convert_element_type3A_324 = arith.extui %eq3A_323 : i1 to i32
          %cond3A_325 = arith.constant 0 : i32
          %cond3A_326 = arith.cmpi ne, %convert_element_type3A_324, %cond3A_325 : i32
          %cond3A_327 = scf.if %cond3A_326 -> (i32) {
            %ge3A_398 = vector.broadcast %squeeze3A : f32 to vector<16xf32>
            %ge3A_399 = arith.cmpf oge, %get3A_147, %ge3A_398 : vector<16xf32>
            %jit3A_400 = arith.constant 0xFF800000 : f32
            %broadcast_in_dim3A_401 = vector.broadcast %jit3A_400 : f32 to vector<16xf32>
            %select_n3A_402 = arith.select %ge3A_399, %get3A_147, %broadcast_in_dim3A_401 : vector<16xi1>, vector<16xf32>
            %swap3A_403 = arith.index_cast %scan3A_141 : i32 to index
            %swap3A_404 = tpu.vector_load %arg5[%swap3A_403] {strides = array<i32>} : memref<32768xf32, #tpu.memory_space<vmem>>, vector<16xf32>,
            %swap3A_405 = vector.shape_cast %swap3A_404 : vector<16xf32> to vector<16xf32>
            %swap3A_406 = vector.shape_cast %select_n3A_402 : vector<16xf32> to vector<16xf32>
            tpu.vector_store %arg5[%swap3A_403], %swap3A_406 {strides = array<i32>} : memref<32768xf32, #tpu.memory_space<vmem>>, vector<16xf32>,
            %add3A_407 = arith.constant 0 : i32
            %add3A_408 = arith.addi %mul3A_143, %add3A_407 : i32
            %add3A_409 = vector.broadcast %add3A_408 : i32 to vector<16xi32>
            %add3A_410 = arith.addi %iota3A, %add3A_409 : vector<16xi32>
            %swap3A_411 = arith.index_cast %scan3A_141 : i32 to index
            %swap3A_412 = tpu.vector_load %arg6[%swap3A_411] {strides = array<i32>} : memref<32768xi32, #tpu.memory_space<vmem>>, vector<16xi32>,
            %swap3A_413 = vector.shape_cast %swap3A_412 : vector<16xi32> to vector<16xi32>
            %swap3A_414 = vector.shape_cast %add3A_410 : vector<16xi32> to vector<16xi32>
            tpu.vector_store %arg6[%swap3A_411], %swap3A_414 {strides = array<i32>} : memref<32768xi32, #tpu.memory_space<vmem>>, vector<16xi32>,
            %add3A_415 = arith.constant 16 : i32
            %add3A_416 = arith.addi %scan3A_141, %add3A_415 : i32
            scf.yield %add3A_416 : i32
          } else {
            scf.yield %scan3A_141 : i32
          }
          %shift_right_arithmetic3A_328 = arith.constant 1 : i32
          %shift_right_arithmetic3A_329 = arith.shrsi %squeeze3A_317, %shift_right_arithmetic3A_328 : i32
          %and3A_330 = arith.constant 1 : i32
          %and3A_331 = arith.andi %shift_right_arithmetic3A_329, %and3A_330 : i32
          %eq3A_332 = arith.constant 1 : i32
          %eq3A_333 = arith.cmpi eq, %and3A_331, %eq3A_332 : i32
          %convert_element_type3A_334 = arith.extui %eq3A_333 : i1 to i32
          %cond3A_335 = arith.constant 0 : i32
          %cond3A_336 = arith.cmpi ne, %convert_element_type3A_334, %cond3A_335 : i32
          %cond3A_337 = scf.if %cond3A_336 -> (i32) {
            %ge3A_398 = vector.broadcast %squeeze3A : f32 to vector<16xf32>
            %ge3A_399 = arith.cmpf oge, %get3A_152, %ge3A_398 : vector<16xf32>
            %jit3A_400 = arith.constant 0xFF800000 : f32
            %broadcast_in_dim3A_401 = vector.broadcast %jit3A_400 : f32 to vector<16xf32>
            %select_n3A_402 = arith.select %ge3A_399, %get3A_152, %broadcast_in_dim3A_401 : vector<16xi1>, vector<16xf32>
            %swap3A_403 = arith.index_cast %cond3A_327 : i32 to index
            %swap3A_404 = tpu.vector_load %arg5[%swap3A_403] {strides = array<i32>} : memref<32768xf32, #tpu.memory_space<vmem>>, vector<16xf32>,
            %swap3A_405 = vector.shape_cast %swap3A_404 : vector<16xf32> to vector<16xf32>
            %swap3A_406 = vector.shape_cast %select_n3A_402 : vector<16xf32> to vector<16xf32>
            tpu.vector_store %arg5[%swap3A_403], %swap3A_406 {strides = array<i32>} : memref<32768xf32, #tpu.memory_space<vmem>>, vector<16xf32>,
            %add3A_407 = arith.constant 16 : i32
            %add3A_408 = arith.addi %mul3A_143, %add3A_407 : i32
            %add3A_409 = vector.broadcast %add3A_408 : i32 to vector<16xi32>
            %add3A_410 = arith.addi %iota3A, %add3A_409 : vector<16xi32>
            %swap3A_411 = arith.index_cast %cond3A_327 : i32 to index
            %swap3A_412 = tpu.vector_load %arg6[%swap3A_411] {strides = array<i32>} : memref<32768xi32, #tpu.memory_space<vmem>>, vector<16xi32>,
            %swap3A_413 = vector.shape_cast %swap3A_412 : vector<16xi32> to vector<16xi32>
            %swap3A_414 = vector.shape_cast %add3A_410 : vector<16xi32> to vector<16xi32>
            tpu.vector_store %arg6[%swap3A_411], %swap3A_414 {strides = array<i32>} : memref<32768xi32, #tpu.memory_space<vmem>>, vector<16xi32>,
            %add3A_415 = arith.constant 16 : i32
            %add3A_416 = arith.addi %cond3A_327, %add3A_415 : i32
            scf.yield %add3A_416 : i32
          } else {
            scf.yield %cond3A_327 : i32
          }
          %shift_right_arithmetic3A_338 = arith.constant 2 : i32
          %shift_right_arithmetic3A_339 = arith.shrsi %squeeze3A_317, %shift_right_arithmetic3A_338 : i32
          %and3A_340 = arith.constant 1 : i32
          %and3A_341 = arith.andi %shift_right_arithmetic3A_339, %and3A_340 : i32
          %eq3A_342 = arith.constant 1 : i32
          %eq3A_343 = arith.cmpi eq, %and3A_341, %eq3A_342 : i32
          %convert_element_type3A_344 = arith.extui %eq3A_343 : i1 to i32
          %cond3A_345 = arith.constant 0 : i32
          %cond3A_346 = arith.cmpi ne, %convert_element_type3A_344, %cond3A_345 : i32
          %cond3A_347 = scf.if %cond3A_346 -> (i32) {
            %ge3A_398 = vector.broadcast %squeeze3A : f32 to vector<16xf32>
            %ge3A_399 = arith.cmpf oge, %get3A_157, %ge3A_398 : vector<16xf32>
            %jit3A_400 = arith.constant 0xFF800000 : f32
            %broadcast_in_dim3A_401 = vector.broadcast %jit3A_400 : f32 to vector<16xf32>
            %select_n3A_402 = arith.select %ge3A_399, %get3A_157, %broadcast_in_dim3A_401 : vector<16xi1>, vector<16xf32>
            %swap3A_403 = arith.index_cast %cond3A_337 : i32 to index
            %swap3A_404 = tpu.vector_load %arg5[%swap3A_403] {strides = array<i32>} : memref<32768xf32, #tpu.memory_space<vmem>>, vector<16xf32>,
            %swap3A_405 = vector.shape_cast %swap3A_404 : vector<16xf32> to vector<16xf32>
            %swap3A_406 = vector.shape_cast %select_n3A_402 : vector<16xf32> to vector<16xf32>
            tpu.vector_store %arg5[%swap3A_403], %swap3A_406 {strides = array<i32>} : memref<32768xf32, #tpu.memory_space<vmem>>, vector<16xf32>,
            %add3A_407 = arith.constant 32 : i32
            %add3A_408 = arith.addi %mul3A_143, %add3A_407 : i32
            %add3A_409 = vector.broadcast %add3A_408 : i32 to vector<16xi32>
            %add3A_410 = arith.addi %iota3A, %add3A_409 : vector<16xi32>
            %swap3A_411 = arith.index_cast %cond3A_337 : i32 to index
            %swap3A_412 = tpu.vector_load %arg6[%swap3A_411] {strides = array<i32>} : memref<32768xi32, #tpu.memory_space<vmem>>, vector<16xi32>,
            %swap3A_413 = vector.shape_cast %swap3A_412 : vector<16xi32> to vector<16xi32>
            %swap3A_414 = vector.shape_cast %add3A_410 : vector<16xi32> to vector<16xi32>
            tpu.vector_store %arg6[%swap3A_411], %swap3A_414 {strides = array<i32>} : memref<32768xi32, #tpu.memory_space<vmem>>, vector<16xi32>,
            %add3A_415 = arith.constant 16 : i32
            %add3A_416 = arith.addi %cond3A_337, %add3A_415 : i32
            scf.yield %add3A_416 : i32
          } else {
            scf.yield %cond3A_337 : i32
          }
          %shift_right_arithmetic3A_348 = arith.constant 3 : i32
          %shift_right_arithmetic3A_349 = arith.shrsi %squeeze3A_317, %shift_right_arithmetic3A_348 : i32
          %and3A_350 = arith.constant 1 : i32
          %and3A_351 = arith.andi %shift_right_arithmetic3A_349, %and3A_350 : i32
          %eq3A_352 = arith.constant 1 : i32
          %eq3A_353 = arith.cmpi eq, %and3A_351, %eq3A_352 : i32
          %convert_element_type3A_354 = arith.extui %eq3A_353 : i1 to i32
          %cond3A_355 = arith.constant 0 : i32
          %cond3A_356 = arith.cmpi ne, %convert_element_type3A_354, %cond3A_355 : i32
          %cond3A_357 = scf.if %cond3A_356 -> (i32) {
            %ge3A_398 = vector.broadcast %squeeze3A : f32 to vector<16xf32>
            %ge3A_399 = arith.cmpf oge, %get3A_162, %ge3A_398 : vector<16xf32>
            %jit3A_400 = arith.constant 0xFF800000 : f32
            %broadcast_in_dim3A_401 = vector.broadcast %jit3A_400 : f32 to vector<16xf32>
            %select_n3A_402 = arith.select %ge3A_399, %get3A_162, %broadcast_in_dim3A_401 : vector<16xi1>, vector<16xf32>
            %swap3A_403 = arith.index_cast %cond3A_347 : i32 to index
            %swap3A_404 = tpu.vector_load %arg5[%swap3A_403] {strides = array<i32>} : memref<32768xf32, #tpu.memory_space<vmem>>, vector<16xf32>,
            %swap3A_405 = vector.shape_cast %swap3A_404 : vector<16xf32> to vector<16xf32>
            %swap3A_406 = vector.shape_cast %select_n3A_402 : vector<16xf32> to vector<16xf32>
            tpu.vector_store %arg5[%swap3A_403], %swap3A_406 {strides = array<i32>} : memref<32768xf32, #tpu.memory_space<vmem>>, vector<16xf32>,
            %add3A_407 = arith.constant 48 : i32
            %add3A_408 = arith.addi %mul3A_143, %add3A_407 : i32
            %add3A_409 = vector.broadcast %add3A_408 : i32 to vector<16xi32>
            %add3A_410 = arith.addi %iota3A, %add3A_409 : vector<16xi32>
            %swap3A_411 = arith.index_cast %cond3A_347 : i32 to index
            %swap3A_412 = tpu.vector_load %arg6[%swap3A_411] {strides = array<i32>} : memref<32768xi32, #tpu.memory_space<vmem>>, vector<16xi32>,
            %swap3A_413 = vector.shape_cast %swap3A_412 : vector<16xi32> to vector<16xi32>
            %swap3A_414 = vector.shape_cast %add3A_410 : vector<16xi32> to vector<16xi32>
            tpu.vector_store %arg6[%swap3A_411], %swap3A_414 {strides = array<i32>} : memref<32768xi32, #tpu.memory_space<vmem>>, vector<16xi32>,
            %add3A_415 = arith.constant 16 : i32
            %add3A_416 = arith.addi %cond3A_347, %add3A_415 : i32
            scf.yield %add3A_416 : i32
          } else {
            scf.yield %cond3A_347 : i32
          }
          %shift_right_arithmetic3A_358 = arith.constant 4 : i32
          %shift_right_arithmetic3A_359 = arith.shrsi %squeeze3A_317, %shift_right_arithmetic3A_358 : i32
          %and3A_360 = arith.constant 1 : i32
          %and3A_361 = arith.andi %shift_right_arithmetic3A_359, %and3A_360 : i32
          %eq3A_362 = arith.constant 1 : i32
          %eq3A_363 = arith.cmpi eq, %and3A_361, %eq3A_362 : i32
          %convert_element_type3A_364 = arith.extui %eq3A_363 : i1 to i32
          %cond3A_365 = arith.constant 0 : i32
          %cond3A_366 = arith.cmpi ne, %convert_element_type3A_364, %cond3A_365 : i32
          %cond3A_367 = scf.if %cond3A_366 -> (i32) {
            %ge3A_398 = vector.broadcast %squeeze3A : f32 to vector<16xf32>
            %ge3A_399 = arith.cmpf oge, %get3A_167, %ge3A_398 : vector<16xf32>
            %jit3A_400 = arith.constant 0xFF800000 : f32
            %broadcast_in_dim3A_401 = vector.broadcast %jit3A_400 : f32 to vector<16xf32>
            %select_n3A_402 = arith.select %ge3A_399, %get3A_167, %broadcast_in_dim3A_401 : vector<16xi1>, vector<16xf32>
            %swap3A_403 = arith.index_cast %cond3A_357 : i32 to index
            %swap3A_404 = tpu.vector_load %arg5[%swap3A_403] {strides = array<i32>} : memref<32768xf32, #tpu.memory_space<vmem>>, vector<16xf32>,
            %swap3A_405 = vector.shape_cast %swap3A_404 : vector<16xf32> to vector<16xf32>
            %swap3A_406 = vector.shape_cast %select_n3A_402 : vector<16xf32> to vector<16xf32>
            tpu.vector_store %arg5[%swap3A_403], %swap3A_406 {strides = array<i32>} : memref<32768xf32, #tpu.memory_space<vmem>>, vector<16xf32>,
            %add3A_407 = arith.constant 64 : i32
            %add3A_408 = arith.addi %mul3A_143, %add3A_407 : i32
            %add3A_409 = vector.broadcast %add3A_408 : i32 to vector<16xi32>
            %add3A_410 = arith.addi %iota3A, %add3A_409 : vector<16xi32>
            %swap3A_411 = arith.index_cast %cond3A_357 : i32 to index
            %swap3A_412 = tpu.vector_load %arg6[%swap3A_411] {strides = array<i32>} : memref<32768xi32, #tpu.memory_space<vmem>>, vector<16xi32>,
            %swap3A_413 = vector.shape_cast %swap3A_412 : vector<16xi32> to vector<16xi32>
            %swap3A_414 = vector.shape_cast %add3A_410 : vector<16xi32> to vector<16xi32>
            tpu.vector_store %arg6[%swap3A_411], %swap3A_414 {strides = array<i32>} : memref<32768xi32, #tpu.memory_space<vmem>>, vector<16xi32>,
            %add3A_415 = arith.constant 16 : i32
            %add3A_416 = arith.addi %cond3A_357, %add3A_415 : i32
            scf.yield %add3A_416 : i32
          } else {
            scf.yield %cond3A_357 : i32
          }
          %shift_right_arithmetic3A_368 = arith.constant 5 : i32
          %shift_right_arithmetic3A_369 = arith.shrsi %squeeze3A_317, %shift_right_arithmetic3A_368 : i32
          %and3A_370 = arith.constant 1 : i32
          %and3A_371 = arith.andi %shift_right_arithmetic3A_369, %and3A_370 : i32
          %eq3A_372 = arith.constant 1 : i32
          %eq3A_373 = arith.cmpi eq, %and3A_371, %eq3A_372 : i32
          %convert_element_type3A_374 = arith.extui %eq3A_373 : i1 to i32
          %cond3A_375 = arith.constant 0 : i32
          %cond3A_376 = arith.cmpi ne, %convert_element_type3A_374, %cond3A_375 : i32
          %cond3A_377 = scf.if %cond3A_376 -> (i32) {
            %ge3A_398 = vector.broadcast %squeeze3A : f32 to vector<16xf32>
            %ge3A_399 = arith.cmpf oge, %get3A_172, %ge3A_398 : vector<16xf32>
            %jit3A_400 = arith.constant 0xFF800000 : f32
            %broadcast_in_dim3A_401 = vector.broadcast %jit3A_400 : f32 to vector<16xf32>
            %select_n3A_402 = arith.select %ge3A_399, %get3A_172, %broadcast_in_dim3A_401 : vector<16xi1>, vector<16xf32>
            %swap3A_403 = arith.index_cast %cond3A_367 : i32 to index
            %swap3A_404 = tpu.vector_load %arg5[%swap3A_403] {strides = array<i32>} : memref<32768xf32, #tpu.memory_space<vmem>>, vector<16xf32>,
            %swap3A_405 = vector.shape_cast %swap3A_404 : vector<16xf32> to vector<16xf32>
            %swap3A_406 = vector.shape_cast %select_n3A_402 : vector<16xf32> to vector<16xf32>
            tpu.vector_store %arg5[%swap3A_403], %swap3A_406 {strides = array<i32>} : memref<32768xf32, #tpu.memory_space<vmem>>, vector<16xf32>,
            %add3A_407 = arith.constant 80 : i32
            %add3A_408 = arith.addi %mul3A_143, %add3A_407 : i32
            %add3A_409 = vector.broadcast %add3A_408 : i32 to vector<16xi32>
            %add3A_410 = arith.addi %iota3A, %add3A_409 : vector<16xi32>
            %swap3A_411 = arith.index_cast %cond3A_367 : i32 to index
            %swap3A_412 = tpu.vector_load %arg6[%swap3A_411] {strides = array<i32>} : memref<32768xi32, #tpu.memory_space<vmem>>, vector<16xi32>,
            %swap3A_413 = vector.shape_cast %swap3A_412 : vector<16xi32> to vector<16xi32>
            %swap3A_414 = vector.shape_cast %add3A_410 : vector<16xi32> to vector<16xi32>
            tpu.vector_store %arg6[%swap3A_411], %swap3A_414 {strides = array<i32>} : memref<32768xi32, #tpu.memory_space<vmem>>, vector<16xi32>,
            %add3A_415 = arith.constant 16 : i32
            %add3A_416 = arith.addi %cond3A_367, %add3A_415 : i32
            scf.yield %add3A_416 : i32
          } else {
            scf.yield %cond3A_367 : i32
          }
          %shift_right_arithmetic3A_378 = arith.constant 6 : i32
          %shift_right_arithmetic3A_379 = arith.shrsi %squeeze3A_317, %shift_right_arithmetic3A_378 : i32
          %and3A_380 = arith.constant 1 : i32
          %and3A_381 = arith.andi %shift_right_arithmetic3A_379, %and3A_380 : i32
          %eq3A_382 = arith.constant 1 : i32
          %eq3A_383 = arith.cmpi eq, %and3A_381, %eq3A_382 : i32
          %convert_element_type3A_384 = arith.extui %eq3A_383 : i1 to i32
          %cond3A_385 = arith.constant 0 : i32
          %cond3A_386 = arith.cmpi ne, %convert_element_type3A_384, %cond3A_385 : i32
          %cond3A_387 = scf.if %cond3A_386 -> (i32) {
            %ge3A_398 = vector.broadcast %squeeze3A : f32 to vector<16xf32>
            %ge3A_399 = arith.cmpf oge, %get3A_177, %ge3A_398 : vector<16xf32>
            %jit3A_400 = arith.constant 0xFF800000 : f32
            %broadcast_in_dim3A_401 = vector.broadcast %jit3A_400 : f32 to vector<16xf32>
            %select_n3A_402 = arith.select %ge3A_399, %get3A_177, %broadcast_in_dim3A_401 : vector<16xi1>, vector<16xf32>
            %swap3A_403 = arith.index_cast %cond3A_377 : i32 to index
            %swap3A_404 = tpu.vector_load %arg5[%swap3A_403] {strides = array<i32>} : memref<32768xf32, #tpu.memory_space<vmem>>, vector<16xf32>,
            %swap3A_405 = vector.shape_cast %swap3A_404 : vector<16xf32> to vector<16xf32>
            %swap3A_406 = vector.shape_cast %select_n3A_402 : vector<16xf32> to vector<16xf32>
            tpu.vector_store %arg5[%swap3A_403], %swap3A_406 {strides = array<i32>} : memref<32768xf32, #tpu.memory_space<vmem>>, vector<16xf32>,
            %add3A_407 = arith.constant 96 : i32
            %add3A_408 = arith.addi %mul3A_143, %add3A_407 : i32
            %add3A_409 = vector.broadcast %add3A_408 : i32 to vector<16xi32>
            %add3A_410 = arith.addi %iota3A, %add3A_409 : vector<16xi32>
            %swap3A_411 = arith.index_cast %cond3A_377 : i32 to index
            %swap3A_412 = tpu.vector_load %arg6[%swap3A_411] {strides = array<i32>} : memref<32768xi32, #tpu.memory_space<vmem>>, vector<16xi32>,
            %swap3A_413 = vector.shape_cast %swap3A_412 : vector<16xi32> to vector<16xi32>
            %swap3A_414 = vector.shape_cast %add3A_410 : vector<16xi32> to vector<16xi32>
            tpu.vector_store %arg6[%swap3A_411], %swap3A_414 {strides = array<i32>} : memref<32768xi32, #tpu.memory_space<vmem>>, vector<16xi32>,
            %add3A_415 = arith.constant 16 : i32
            %add3A_416 = arith.addi %cond3A_377, %add3A_415 : i32
            scf.yield %add3A_416 : i32
          } else {
            scf.yield %cond3A_377 : i32
          }
          %shift_right_arithmetic3A_388 = arith.constant 7 : i32
          %shift_right_arithmetic3A_389 = arith.shrsi %squeeze3A_317, %shift_right_arithmetic3A_388 : i32
          %and3A_390 = arith.constant 1 : i32
          %and3A_391 = arith.andi %shift_right_arithmetic3A_389, %and3A_390 : i32
          %eq3A_392 = arith.constant 1 : i32
          %eq3A_393 = arith.cmpi eq, %and3A_391, %eq3A_392 : i32
          %convert_element_type3A_394 = arith.extui %eq3A_393 : i1 to i32
          %cond3A_395 = arith.constant 0 : i32
          %cond3A_396 = arith.cmpi ne, %convert_element_type3A_394, %cond3A_395 : i32
          %cond3A_397 = scf.if %cond3A_396 -> (i32) {
            %ge3A_398 = vector.broadcast %squeeze3A : f32 to vector<16xf32>
            %ge3A_399 = arith.cmpf oge, %get3A_182, %ge3A_398 : vector<16xf32>
            %jit3A_400 = arith.constant 0xFF800000 : f32
            %broadcast_in_dim3A_401 = vector.broadcast %jit3A_400 : f32 to vector<16xf32>
            %select_n3A_402 = arith.select %ge3A_399, %get3A_182, %broadcast_in_dim3A_401 : vector<16xi1>, vector<16xf32>
            %swap3A_403 = arith.index_cast %cond3A_387 : i32 to index
            %swap3A_404 = tpu.vector_load %arg5[%swap3A_403] {strides = array<i32>} : memref<32768xf32, #tpu.memory_space<vmem>>, vector<16xf32>,
            %swap3A_405 = vector.shape_cast %swap3A_404 : vector<16xf32> to vector<16xf32>
            %swap3A_406 = vector.shape_cast %select_n3A_402 : vector<16xf32> to vector<16xf32>
            tpu.vector_store %arg5[%swap3A_403], %swap3A_406 {strides = array<i32>} : memref<32768xf32, #tpu.memory_space<vmem>>, vector<16xf32>,
            %add3A_407 = arith.constant 112 : i32
            %add3A_408 = arith.addi %mul3A_143, %add3A_407 : i32
            %add3A_409 = vector.broadcast %add3A_408 : i32 to vector<16xi32>
            %add3A_410 = arith.addi %iota3A, %add3A_409 : vector<16xi32>
            %swap3A_411 = arith.index_cast %cond3A_387 : i32 to index
            %swap3A_412 = tpu.vector_load %arg6[%swap3A_411] {strides = array<i32>} : memref<32768xi32, #tpu.memory_space<vmem>>, vector<16xi32>,
            %swap3A_413 = vector.shape_cast %swap3A_412 : vector<16xi32> to vector<16xi32>
            %swap3A_414 = vector.shape_cast %add3A_410 : vector<16xi32> to vector<16xi32>
            tpu.vector_store %arg6[%swap3A_411], %swap3A_414 {strides = array<i32>} : memref<32768xi32, #tpu.memory_space<vmem>>, vector<16xi32>,
            %add3A_415 = arith.constant 16 : i32
            %add3A_416 = arith.addi %cond3A_387, %add3A_415 : i32
            scf.yield %add3A_416 : i32
          } else {
            scf.yield %cond3A_387 : i32
          }
          scf.yield %cond3A_397 : i32
        } else {
          scf.yield %scan3A_141 : i32
        }
        scf.yield %cond3A_221 : i32
      }
      %scan3A_52 = arith.constant 256 : i32
      %jit3A = arith.constant 16 : i32
      %div3A = arith.divsi %scan3A_51, %jit3A : i32
      %sign3A = arith.constant 0 : i32
      %sign3A_53 = arith.cmpi sgt, %scan3A_51, %sign3A : i32
      %sign3A_54 = arith.extui %sign3A_53 : i1 to i32
      %sign3A_55 = arith.constant 0 : i32
      %sign3A_56 = arith.cmpi slt, %scan3A_51, %sign3A_55 : i32
      %sign3A_57 = arith.extui %sign3A_56 : i1 to i32
      %sign3A_58 = arith.subi %sign3A_54, %sign3A_57 : i32
      %sign3A_59 = arith.constant 0 : i32
      %sign3A_60 = arith.cmpi sgt, %jit3A, %sign3A_59 : i32
      %sign3A_61 = arith.extui %sign3A_60 : i1 to i32
      %sign3A_62 = arith.constant 0 : i32
      %sign3A_63 = arith.cmpi slt, %jit3A, %sign3A_62 : i32
      %sign3A_64 = arith.extui %sign3A_63 : i1 to i32
      %sign3A_65 = arith.subi %sign3A_61, %sign3A_64 : i32
      %ne3A = arith.cmpi ne, %sign3A_58, %sign3A_65 : i32
      %rem3A = arith.remsi %scan3A_51, %jit3A : i32
      %ne3A_66 = arith.constant 0 : i32
      %ne3A_67 = arith.cmpi ne, %rem3A, %ne3A_66 : i32
      %and3A = arith.andi %ne3A, %ne3A_67 : i1
      %sub3A = arith.constant 1 : i32
      %sub3A_68 = arith.subi %div3A, %sub3A : i32
      %select_n3A = arith.select %and3A, %sub3A_68, %div3A : i32
      %scan3A_69 = arith.constant 0 : i32
      %scan3A_70 = arith.constant 50 : i32
      %scan3A_71 = arith.addi %scan3A_69, %scan3A_70 : i32
      %scan3A_72 = arith.constant 1 : i32
      %scan3A_73:8 = scf.for %scan3A_140 = %scan3A_69 to %scan3A_71 step %scan3A_72 iter_args(%scan3A_141 = %broadcast_in_dim3A_3, %scan3A_142 = %broadcast_in_dim3A_3, %scan3A_143 = %broadcast_in_dim3A_3, %scan3A_144 = %broadcast_in_dim3A_3, %scan3A_145 = %broadcast_in_dim3A_3, %scan3A_146 = %broadcast_in_dim3A_3, %scan3A_147 = %broadcast_in_dim3A_3, %scan3A_148 = %broadcast_in_dim3A_3) -> (vector<16xf32>, vector<16xf32>, vector<16xf32>, vector<16xf32>, vector<16xf32>, vector<16xf32>, vector<16xf32>, vector<16xf32>)  : i32 {
        %while3A = arith.constant 0 : i32
        %while3A_149 = arith.subi %select_n3A, %while3A : i32
        %while3A_150 = arith.addi %while3A, %while3A_149 : i32
        %while3A_151 = arith.constant 1 : i32
        %while3A_152 = arith.divsi %while3A_149, %while3A_151 : i32
        %while3A_153 = arith.muli %while3A_152, %while3A_151 : i32
        %while3A_154 = arith.addi %while3A, %while3A_153 : i32
        %while3A_155 = arith.constant 1 : i32
        %while3A_156 = scf.for %while3A_273 = %while3A to %while3A_154 step %while3A_155 iter_args(%while3A_274 = %broadcast_in_dim3A_1) -> (vector<16xf32>)  : i32 {
          %mul3A_275 = arith.constant 16 : i32
          %mul3A_276 = arith.muli %while3A_273, %mul3A_275 : i32
          %get3A = arith.index_cast %mul3A_276 : i32 to index
          %get3A_277 = tpu.vector_load %arg5[%get3A] {strides = array<i32>} : memref<32768xf32, #tpu.memory_space<vmem>>, vector<16xf32>,
          %get3A_278 = vector.shape_cast %get3A_277 : vector<16xf32> to vector<16xf32>
          %max3A_279 = arith.maximumf %while3A_274, %get3A_278 : vector<16xf32>
          scf.yield %max3A_279 : vector<16xf32>
        }
        %while3A_157 = arith.constant 1 : i32
        %while3A_158 = scf.for %while3A_273 = %while3A_154 to %while3A_150 step %while3A_157 iter_args(%while3A_274 = %while3A_156) -> (vector<16xf32>)  : i32 {
          %mul3A_275 = arith.constant 16 : i32
          %mul3A_276 = arith.muli %while3A_273, %mul3A_275 : i32
          %get3A = arith.index_cast %mul3A_276 : i32 to index
          %get3A_277 = tpu.vector_load %arg5[%get3A] {strides = array<i32>} : memref<32768xf32, #tpu.memory_space<vmem>>, vector<16xf32>,
          %get3A_278 = vector.shape_cast %get3A_277 : vector<16xf32> to vector<16xf32>
          %max3A_279 = arith.maximumf %while3A_274, %get3A_278 : vector<16xf32>
          scf.yield %max3A_279 : vector<16xf32>
        }
        %iota3A_159 = tpu.iota {dimensions = array<i32: 0>} : vector<16xi32>
        %xor3A_160 = arith.constant 1 : i32
        %xor3A_161 = vector.broadcast %xor3A_160 : i32 to vector<16xi32>
        %xor3A_162 = arith.xori %iota3A_159, %xor3A_161 : vector<16xi32>
        %reshape3A_163 = vector.shape_cast %xor3A_162 : vector<16xi32> to vector<16x1xi32>
        %gather3A_164 = vector.shape_cast %reshape3A_163 : vector<16x1xi32> to vector<16xi32>
        %gather3A_165 = tpu.dynamic_gather %while3A_158[%gather3A_164] in [0] : vector<16xf32>, vector<16xi32> -> vector<16xf32>
        %max3A = arith.maximumf %while3A_158, %gather3A_165 : vector<16xf32>
        %xor3A_166 = arith.constant 2 : i32
        %xor3A_167 = vector.broadcast %xor3A_166 : i32 to vector<16xi32>
        %xor3A_168 = arith.xori %iota3A_159, %xor3A_167 : vector<16xi32>
        %reshape3A_169 = vector.shape_cast %xor3A_168 : vector<16xi32> to vector<16x1xi32>
        %gather3A_170 = vector.shape_cast %reshape3A_169 : vector<16x1xi32> to vector<16xi32>
        %gather3A_171 = tpu.dynamic_gather %max3A[%gather3A_170] in [0] : vector<16xf32>, vector<16xi32> -> vector<16xf32>
        %max3A_172 = arith.maximumf %max3A, %gather3A_171 : vector<16xf32>
        %xor3A_173 = arith.constant 4 : i32
        %xor3A_174 = vector.broadcast %xor3A_173 : i32 to vector<16xi32>
        %xor3A_175 = arith.xori %iota3A_159, %xor3A_174 : vector<16xi32>
        %reshape3A_176 = vector.shape_cast %xor3A_175 : vector<16xi32> to vector<16x1xi32>
        %gather3A_177 = vector.shape_cast %reshape3A_176 : vector<16x1xi32> to vector<16xi32>
        %gather3A_178 = tpu.dynamic_gather %max3A_172[%gather3A_177] in [0] : vector<16xf32>, vector<16xi32> -> vector<16xf32>
        %max3A_179 = arith.maximumf %max3A_172, %gather3A_178 : vector<16xf32>
        %xor3A_180 = arith.constant 8 : i32
        %xor3A_181 = vector.broadcast %xor3A_180 : i32 to vector<16xi32>
        %xor3A_182 = arith.xori %iota3A_159, %xor3A_181 : vector<16xi32>
        %reshape3A_183 = vector.shape_cast %xor3A_182 : vector<16xi32> to vector<16x1xi32>
        %gather3A_184 = vector.shape_cast %reshape3A_183 : vector<16x1xi32> to vector<16xi32>
        %gather3A_185 = tpu.dynamic_gather %max3A_179[%gather3A_184] in [0] : vector<16xf32>, vector<16xi32> -> vector<16xf32>
        %max3A_186 = arith.maximumf %max3A_179, %gather3A_185 : vector<16xf32>
        %broadcast_in_dim3A_187 = arith.constant 1073741823 : i32
        %broadcast_in_dim3A_188 = vector.broadcast %broadcast_in_dim3A_187 : i32 to vector<16xi32>
        %while3A_189 = arith.constant 0 : i32
        %while3A_190 = arith.subi %select_n3A, %while3A_189 : i32
        %while3A_191 = arith.addi %while3A_189, %while3A_190 : i32
        %while3A_192 = arith.constant 1 : i32
        %while3A_193 = arith.divsi %while3A_190, %while3A_192 : i32
        %while3A_194 = arith.muli %while3A_193, %while3A_192 : i32
        %while3A_195 = arith.addi %while3A_189, %while3A_194 : i32
        %while3A_196 = arith.constant 1 : i32
        %while3A_197 = scf.for %while3A_273 = %while3A_189 to %while3A_195 step %while3A_196 iter_args(%while3A_274 = %broadcast_in_dim3A_188) -> (vector<16xi32>)  : i32 {
          %mul3A_275 = arith.constant 16 : i32
          %mul3A_276 = arith.muli %while3A_273, %mul3A_275 : i32
          %get3A = arith.index_cast %mul3A_276 : i32 to index
          %get3A_277 = tpu.vector_load %arg5[%get3A] {strides = array<i32>} : memref<32768xf32, #tpu.memory_space<vmem>>, vector<16xf32>,
          %get3A_278 = vector.shape_cast %get3A_277 : vector<16xf32> to vector<16xf32>
          %mul3A_279 = arith.constant 16 : i32
          %mul3A_280 = arith.muli %while3A_273, %mul3A_279 : i32
          %get3A_281 = arith.index_cast %mul3A_280 : i32 to index
          %get3A_282 = tpu.vector_load %arg6[%get3A_281] {strides = array<i32>} : memref<32768xi32, #tpu.memory_space<vmem>>, vector<16xi32>,
          %get3A_283 = vector.shape_cast %get3A_282 : vector<16xi32> to vector<16xi32>
          %eq3A_284 = arith.cmpf oeq, %get3A_278, %max3A_186 : vector<16xf32>
          %jit3A_285 = arith.constant 1073741823 : i32
          %broadcast_in_dim3A_286 = vector.broadcast %jit3A_285 : i32 to vector<16xi32>
          %select_n3A_287 = arith.select %eq3A_284, %get3A_283, %broadcast_in_dim3A_286 : vector<16xi1>, vector<16xi32>
          %min3A_288 = arith.minsi %while3A_274, %select_n3A_287 : vector<16xi32>
          scf.yield %min3A_288 : vector<16xi32>
        }
        %while3A_198 = arith.constant 1 : i32
        %while3A_199 = scf.for %while3A_273 = %while3A_195 to %while3A_191 step %while3A_198 iter_args(%while3A_274 = %while3A_197) -> (vector<16xi32>)  : i32 {
          %mul3A_275 = arith.constant 16 : i32
          %mul3A_276 = arith.muli %while3A_273, %mul3A_275 : i32
          %get3A = arith.index_cast %mul3A_276 : i32 to index
          %get3A_277 = tpu.vector_load %arg5[%get3A] {strides = array<i32>} : memref<32768xf32, #tpu.memory_space<vmem>>, vector<16xf32>,
          %get3A_278 = vector.shape_cast %get3A_277 : vector<16xf32> to vector<16xf32>
          %mul3A_279 = arith.constant 16 : i32
          %mul3A_280 = arith.muli %while3A_273, %mul3A_279 : i32
          %get3A_281 = arith.index_cast %mul3A_280 : i32 to index
          %get3A_282 = tpu.vector_load %arg6[%get3A_281] {strides = array<i32>} : memref<32768xi32, #tpu.memory_space<vmem>>, vector<16xi32>,
          %get3A_283 = vector.shape_cast %get3A_282 : vector<16xi32> to vector<16xi32>
          %eq3A_284 = arith.cmpf oeq, %get3A_278, %max3A_186 : vector<16xf32>
          %jit3A_285 = arith.constant 1073741823 : i32
          %broadcast_in_dim3A_286 = vector.broadcast %jit3A_285 : i32 to vector<16xi32>
          %select_n3A_287 = arith.select %eq3A_284, %get3A_283, %broadcast_in_dim3A_286 : vector<16xi1>, vector<16xi32>
          %min3A_288 = arith.minsi %while3A_274, %select_n3A_287 : vector<16xi32>
          scf.yield %min3A_288 : vector<16xi32>
        }
        %iota3A_200 = tpu.iota {dimensions = array<i32: 0>} : vector<16xi32>
        %xor3A_201 = arith.constant 1 : i32
        %xor3A_202 = vector.broadcast %xor3A_201 : i32 to vector<16xi32>
        %xor3A_203 = arith.xori %iota3A_200, %xor3A_202 : vector<16xi32>
        %reshape3A_204 = vector.shape_cast %xor3A_203 : vector<16xi32> to vector<16x1xi32>
        %gather3A_205 = vector.shape_cast %reshape3A_204 : vector<16x1xi32> to vector<16xi32>
        %gather3A_206 = tpu.dynamic_gather %while3A_199[%gather3A_205] in [0] : vector<16xi32>, vector<16xi32> -> vector<16xi32>
        %min3A_207 = arith.minsi %while3A_199, %gather3A_206 : vector<16xi32>
        %xor3A_208 = arith.constant 2 : i32
        %xor3A_209 = vector.broadcast %xor3A_208 : i32 to vector<16xi32>
        %xor3A_210 = arith.xori %iota3A_200, %xor3A_209 : vector<16xi32>
        %reshape3A_211 = vector.shape_cast %xor3A_210 : vector<16xi32> to vector<16x1xi32>
        %gather3A_212 = vector.shape_cast %reshape3A_211 : vector<16x1xi32> to vector<16xi32>
        %gather3A_213 = tpu.dynamic_gather %min3A_207[%gather3A_212] in [0] : vector<16xi32>, vector<16xi32> -> vector<16xi32>
        %min3A_214 = arith.minsi %min3A_207, %gather3A_213 : vector<16xi32>
        %xor3A_215 = arith.constant 4 : i32
        %xor3A_216 = vector.broadcast %xor3A_215 : i32 to vector<16xi32>
        %xor3A_217 = arith.xori %iota3A_200, %xor3A_216 : vector<16xi32>
        %reshape3A_218 = vector.shape_cast %xor3A_217 : vector<16xi32> to vector<16x1xi32>
        %gather3A_219 = vector.shape_cast %reshape3A_218 : vector<16x1xi32> to vector<16xi32>
        %gather3A_220 = tpu.dynamic_gather %min3A_214[%gather3A_219] in [0] : vector<16xi32>, vector<16xi32> -> vector<16xi32>
        %min3A_221 = arith.minsi %min3A_214, %gather3A_220 : vector<16xi32>
        %xor3A_222 = arith.constant 8 : i32
        %xor3A_223 = vector.broadcast %xor3A_222 : i32 to vector<16xi32>
        %xor3A_224 = arith.xori %iota3A_200, %xor3A_223 : vector<16xi32>
        %reshape3A_225 = vector.shape_cast %xor3A_224 : vector<16xi32> to vector<16x1xi32>
        %gather3A_226 = vector.shape_cast %reshape3A_225 : vector<16x1xi32> to vector<16xi32>
        %gather3A_227 = tpu.dynamic_gather %min3A_221[%gather3A_226] in [0] : vector<16xi32>, vector<16xi32> -> vector<16xi32>
        %min3A_228 = arith.minsi %min3A_221, %gather3A_227 : vector<16xi32>
        %while3A_229 = arith.constant 0 : i32
        %while3A_230 = arith.constant 0 : i32
        %while3A_231 = arith.subi %select_n3A, %while3A_229 : i32
        %while3A_232 = arith.addi %while3A_229, %while3A_231 : i32
        %while3A_233 = arith.constant 1 : i32
        %while3A_234 = arith.divsi %while3A_231, %while3A_233 : i32
        %while3A_235 = arith.muli %while3A_234, %while3A_233 : i32
        %while3A_236 = arith.addi %while3A_229, %while3A_235 : i32
        %while3A_237 = arith.constant 1 : i32
        %while3A_238 = scf.for %while3A_273 = %while3A_229 to %while3A_236 step %while3A_237 iter_args(%while3A_274 = %while3A_230) -> (i32)  : i32 {
          %mul3A_275 = arith.constant 16 : i32
          %mul3A_276 = arith.muli %while3A_273, %mul3A_275 : i32
          %get3A = arith.index_cast %mul3A_276 : i32 to index
          %get3A_277 = tpu.vector_load %arg5[%get3A] {strides = array<i32>} : memref<32768xf32, #tpu.memory_space<vmem>>, vector<16xf32>,
          %get3A_278 = vector.shape_cast %get3A_277 : vector<16xf32> to vector<16xf32>
          %mul3A_279 = arith.constant 16 : i32
          %mul3A_280 = arith.muli %while3A_273, %mul3A_279 : i32
          %get3A_281 = arith.index_cast %mul3A_280 : i32 to index
          %get3A_282 = tpu.vector_load %arg6[%get3A_281] {strides = array<i32>} : memref<32768xi32, #tpu.memory_space<vmem>>, vector<16xi32>,
          %get3A_283 = vector.shape_cast %get3A_282 : vector<16xi32> to vector<16xi32>
          %eq3A_284 = arith.cmpf oeq, %get3A_278, %max3A_186 : vector<16xf32>
          %eq3A_285 = arith.cmpi eq, %get3A_283, %min3A_228 : vector<16xi32>
          %and3A_286 = arith.andi %eq3A_284, %eq3A_285 : vector<16xi1>
          %jit3A_287 = arith.constant 0xFF800000 : f32
          %broadcast_in_dim3A_288 = vector.broadcast %jit3A_287 : f32 to vector<16xf32>
          %select_n3A_289 = arith.select %and3A_286, %broadcast_in_dim3A_288, %get3A_278 : vector<16xi1>, vector<16xf32>
          %mul3A_290 = arith.constant 16 : i32
          %mul3A_291 = arith.muli %while3A_273, %mul3A_290 : i32
          %swap3A_292 = arith.index_cast %mul3A_291 : i32 to index
          %swap3A_293 = tpu.vector_load %arg5[%swap3A_292] {strides = array<i32>} : memref<32768xf32, #tpu.memory_space<vmem>>, vector<16xf32>,
          %swap3A_294 = vector.shape_cast %swap3A_293 : vector<16xf32> to vector<16xf32>
          %swap3A_295 = vector.shape_cast %select_n3A_289 : vector<16xf32> to vector<16xf32>
          tpu.vector_store %arg5[%swap3A_292], %swap3A_295 {strides = array<i32>} : memref<32768xf32, #tpu.memory_space<vmem>>, vector<16xf32>,
          %while3A_296 = arith.constant 0 : i32
          scf.yield %while3A_296 : i32
        }
        %while3A_239 = arith.constant 1 : i32
        %while3A_240 = scf.for %while3A_273 = %while3A_236 to %while3A_232 step %while3A_239 iter_args(%while3A_274 = %while3A_238) -> (i32)  : i32 {
          %mul3A_275 = arith.constant 16 : i32
          %mul3A_276 = arith.muli %while3A_273, %mul3A_275 : i32
          %get3A = arith.index_cast %mul3A_276 : i32 to index
          %get3A_277 = tpu.vector_load %arg5[%get3A] {strides = array<i32>} : memref<32768xf32, #tpu.memory_space<vmem>>, vector<16xf32>,
          %get3A_278 = vector.shape_cast %get3A_277 : vector<16xf32> to vector<16xf32>
          %mul3A_279 = arith.constant 16 : i32
          %mul3A_280 = arith.muli %while3A_273, %mul3A_279 : i32
          %get3A_281 = arith.index_cast %mul3A_280 : i32 to index
          %get3A_282 = tpu.vector_load %arg6[%get3A_281] {strides = array<i32>} : memref<32768xi32, #tpu.memory_space<vmem>>, vector<16xi32>,
          %get3A_283 = vector.shape_cast %get3A_282 : vector<16xi32> to vector<16xi32>
          %eq3A_284 = arith.cmpf oeq, %get3A_278, %max3A_186 : vector<16xf32>
          %eq3A_285 = arith.cmpi eq, %get3A_283, %min3A_228 : vector<16xi32>
          %and3A_286 = arith.andi %eq3A_284, %eq3A_285 : vector<16xi1>
          %jit3A_287 = arith.constant 0xFF800000 : f32
          %broadcast_in_dim3A_288 = vector.broadcast %jit3A_287 : f32 to vector<16xf32>
          %select_n3A_289 = arith.select %and3A_286, %broadcast_in_dim3A_288, %get3A_278 : vector<16xi1>, vector<16xf32>
          %mul3A_290 = arith.constant 16 : i32
          %mul3A_291 = arith.muli %while3A_273, %mul3A_290 : i32
          %swap3A_292 = arith.index_cast %mul3A_291 : i32 to index
          %swap3A_293 = tpu.vector_load %arg5[%swap3A_292] {strides = array<i32>} : memref<32768xf32, #tpu.memory_space<vmem>>, vector<16xf32>,
          %swap3A_294 = vector.shape_cast %swap3A_293 : vector<16xf32> to vector<16xf32>
          %swap3A_295 = vector.shape_cast %select_n3A_289 : vector<16xf32> to vector<16xf32>
          tpu.vector_store %arg5[%swap3A_292], %swap3A_295 {strides = array<i32>} : memref<32768xf32, #tpu.memory_space<vmem>>, vector<16xf32>,
          %while3A_296 = arith.constant 0 : i32
          scf.yield %while3A_296 : i32
        }
        %convert_element_type3A = arith.sitofp %min3A_228 : vector<16xi32> to vector<16xf32>
        %lt3A = arith.constant 10 : i32
        %lt3A_241 = arith.cmpi slt, %scan3A_140, %lt3A : i32
        %mul3A_242 = arith.mulf %max3A_186, %max3A_186 : vector<16xf32>
        %select_n3A_243 = arith.select %lt3A_241, %mul3A_242, %broadcast_in_dim3A_3 : vector<16xf32>
        %add3A_244 = arith.addf %scan3A_141, %select_n3A_243 : vector<16xf32>
        %select_n3A_245 = arith.select %lt3A_241, %convert_element_type3A, %broadcast_in_dim3A_3 : vector<16xf32>
        %add3A_246 = arith.addf %scan3A_142, %select_n3A_245 : vector<16xf32>
        %eq3A_247 = arith.constant 0 : i32
        %eq3A_248 = arith.cmpi eq, %scan3A_140, %eq3A_247 : i32
        %abs3A = math.absf %max3A_186 : vector<16xf32>
        %select_n3A_249 = arith.select %eq3A_248, %abs3A, %scan3A_143 : vector<16xf32>
        %select_n3A_250 = arith.select %eq3A_248, %convert_element_type3A, %scan3A_144 : vector<16xf32>
        %eq3A_251 = vector.broadcast %scan3A_140 : i32 to vector<16xi32>
        %eq3A_252 = arith.cmpi eq, %iota3A, %eq3A_251 : vector<16xi32>
        %select_n3A_253 = arith.select %eq3A_252, %convert_element_type3A, %broadcast_in_dim3A_3 : vector<16xi1>, vector<16xf32>
        %add3A_254 = arith.addf %scan3A_145, %select_n3A_253 : vector<16xf32>
        %sub3A_255 = arith.constant 16 : i32
        %sub3A_256 = arith.subi %scan3A_140, %sub3A_255 : i32
        %eq3A_257 = vector.broadcast %sub3A_256 : i32 to vector<16xi32>
        %eq3A_258 = arith.cmpi eq, %iota3A, %eq3A_257 : vector<16xi32>
        %select_n3A_259 = arith.select %eq3A_258, %convert_element_type3A, %broadcast_in_dim3A_3 : vector<16xi1>, vector<16xf32>
        %add3A_260 = arith.addf %scan3A_146, %select_n3A_259 : vector<16xf32>
        %sub3A_261 = arith.constant 32 : i32
        %sub3A_262 = arith.subi %scan3A_140, %sub3A_261 : i32
        %eq3A_263 = vector.broadcast %sub3A_262 : i32 to vector<16xi32>
        %eq3A_264 = arith.cmpi eq, %iota3A, %eq3A_263 : vector<16xi32>
        %select_n3A_265 = arith.select %eq3A_264, %convert_element_type3A, %broadcast_in_dim3A_3 : vector<16xi1>, vector<16xf32>
        %add3A_266 = arith.addf %scan3A_147, %select_n3A_265 : vector<16xf32>
        %sub3A_267 = arith.constant 48 : i32
        %sub3A_268 = arith.subi %scan3A_140, %sub3A_267 : i32
        %eq3A_269 = vector.broadcast %sub3A_268 : i32 to vector<16xi32>
        %eq3A_270 = arith.cmpi eq, %iota3A, %eq3A_269 : vector<16xi32>
        %select_n3A_271 = arith.select %eq3A_270, %convert_element_type3A, %broadcast_in_dim3A_3 : vector<16xi1>, vector<16xf32>
        %add3A_272 = arith.addf %scan3A_148, %select_n3A_271 : vector<16xf32>
        scf.yield %add3A_244, %add3A_246, %select_n3A_249, %select_n3A_250, %add3A_254, %add3A_260, %add3A_266, %add3A_272 : vector<16xf32>, vector<16xf32>, vector<16xf32>, vector<16xf32>, vector<16xf32>, vector<16xf32>, vector<16xf32>, vector<16xf32>
      }
      %scan3A_74 = arith.constant 50 : i32
      %mul3A_75 = arith.constant 1.000000e-01 : f32
      %mul3A_76 = vector.broadcast %mul3A_75 : f32 to vector<16xf32>
      %mul3A_77 = arith.mulf %scan3A_73#0, %mul3A_76 : vector<16xf32>
      %bitcast_convert_type3A = tpu.bitcast %mul3A_77 : vector<16xf32> -> vector<16xi32>
      %shift_right_arithmetic3A = arith.constant 1 : i32
      %shift_right_arithmetic3A_78 = vector.broadcast %shift_right_arithmetic3A : i32 to vector<16xi32>
      %shift_right_arithmetic3A_79 = arith.shrsi %bitcast_convert_type3A, %shift_right_arithmetic3A_78 : vector<16xi32>
      %add3A_80 = arith.constant 532487669 : i32
      %add3A_81 = vector.broadcast %add3A_80 : i32 to vector<16xi32>
      %add3A_82 = arith.addi %shift_right_arithmetic3A_79, %add3A_81 : vector<16xi32>
      %bitcast_convert_type3A_83 = tpu.bitcast %add3A_82 : vector<16xi32> -> vector<16xf32>
      %div3A_84 = arith.divf %mul3A_77, %bitcast_convert_type3A_83 : vector<16xf32>
      %add3A_85 = arith.addf %bitcast_convert_type3A_83, %div3A_84 : vector<16xf32>
      %mul3A_86 = arith.constant 5.000000e-01 : f32
      %mul3A_87 = vector.broadcast %mul3A_86 : f32 to vector<16xf32>
      %mul3A_88 = arith.mulf %mul3A_87, %add3A_85 : vector<16xf32>
      %div3A_89 = arith.divf %mul3A_77, %mul3A_88 : vector<16xf32>
      %add3A_90 = arith.addf %mul3A_88, %div3A_89 : vector<16xf32>
      %mul3A_91 = arith.constant 5.000000e-01 : f32
      %mul3A_92 = vector.broadcast %mul3A_91 : f32 to vector<16xf32>
      %mul3A_93 = arith.mulf %mul3A_92, %add3A_90 : vector<16xf32>
      %div3A_94 = arith.divf %mul3A_77, %mul3A_93 : vector<16xf32>
      %add3A_95 = arith.addf %mul3A_93, %div3A_94 : vector<16xf32>
      %mul3A_96 = arith.constant 5.000000e-01 : f32
      %mul3A_97 = vector.broadcast %mul3A_96 : f32 to vector<16xf32>
      %mul3A_98 = arith.mulf %mul3A_97, %add3A_95 : vector<16xf32>
      %eq3A = arith.constant 0 : i32
      %eq3A_99 = vector.broadcast %eq3A : i32 to vector<16xi32>
      %eq3A_100 = arith.cmpi eq, %iota3A, %eq3A_99 : vector<16xi32>
      %mul3A_101 = arith.constant 1.000000e-01 : f32
      %mul3A_102 = vector.broadcast %mul3A_101 : f32 to vector<16xf32>
      %mul3A_103 = arith.mulf %scan3A_73#1, %mul3A_102 : vector<16xf32>
      %select_n3A_104 = arith.select %eq3A_100, %mul3A_103, %broadcast_in_dim3A_3 : vector<16xi1>, vector<16xf32>
      %eq3A_105 = arith.constant 1 : i32
      %eq3A_106 = vector.broadcast %eq3A_105 : i32 to vector<16xi32>
      %eq3A_107 = arith.cmpi eq, %iota3A, %eq3A_106 : vector<16xi32>
      %select_n3A_108 = arith.select %eq3A_107, %mul3A_98, %broadcast_in_dim3A_3 : vector<16xi1>, vector<16xf32>
      %add3A_109 = arith.addf %select_n3A_104, %select_n3A_108 : vector<16xf32>
      %eq3A_110 = arith.constant 2 : i32
      %eq3A_111 = vector.broadcast %eq3A_110 : i32 to vector<16xi32>
      %eq3A_112 = arith.cmpi eq, %iota3A, %eq3A_111 : vector<16xi32>
      %select_n3A_113 = arith.select %eq3A_112, %scan3A_73#3, %broadcast_in_dim3A_3 : vector<16xi1>, vector<16xf32>
      %add3A_114 = arith.addf %add3A_109, %select_n3A_113 : vector<16xf32>
      %eq3A_115 = arith.constant 3 : i32
      %eq3A_116 = vector.broadcast %eq3A_115 : i32 to vector<16xi32>
      %eq3A_117 = arith.cmpi eq, %iota3A, %eq3A_116 : vector<16xi32>
      %select_n3A_118 = arith.select %eq3A_117, %scan3A_73#2, %broadcast_in_dim3A_3 : vector<16xi1>, vector<16xf32>
      %add3A_119 = arith.addf %add3A_114, %select_n3A_118 : vector<16xf32>
      %swap3A = arith.constant 0 : index
      %swap3A_120 = tpu.vector_load %arg7[%swap3A] {strides = array<i32>} : memref<72xf32, #tpu.memory_space<vmem>>, vector<16xf32>,
      %swap3A_121 = vector.shape_cast %swap3A_120 : vector<16xf32> to vector<16xf32>
      %swap3A_122 = vector.shape_cast %add3A_119 : vector<16xf32> to vector<16xf32>
      tpu.vector_store %arg7[%swap3A], %swap3A_122 {strides = array<i32>} : memref<72xf32, #tpu.memory_space<vmem>>, vector<16xf32>,
      %swap3A_123 = arith.constant 8 : index
      %swap3A_124 = tpu.vector_load %arg7[%swap3A_123] {strides = array<i32>} : memref<72xf32, #tpu.memory_space<vmem>>, vector<16xf32>,
      %swap3A_125 = vector.shape_cast %swap3A_124 : vector<16xf32> to vector<16xf32>
      %swap3A_126 = vector.shape_cast %scan3A_73#4 : vector<16xf32> to vector<16xf32>
      tpu.vector_store %arg7[%swap3A_123], %swap3A_126 {strides = array<i32>} : memref<72xf32, #tpu.memory_space<vmem>>, vector<16xf32>,
      %swap3A_127 = arith.constant 24 : index
      %swap3A_128 = tpu.vector_load %arg7[%swap3A_127] {strides = array<i32>} : memref<72xf32, #tpu.memory_space<vmem>>, vector<16xf32>,
      %swap3A_129 = vector.shape_cast %swap3A_128 : vector<16xf32> to vector<16xf32>
      %swap3A_130 = vector.shape_cast %scan3A_73#5 : vector<16xf32> to vector<16xf32>
      tpu.vector_store %arg7[%swap3A_127], %swap3A_130 {strides = array<i32>} : memref<72xf32, #tpu.memory_space<vmem>>, vector<16xf32>,
      %swap3A_131 = arith.constant 40 : index
      %swap3A_132 = tpu.vector_load %arg7[%swap3A_131] {strides = array<i32>} : memref<72xf32, #tpu.memory_space<vmem>>, vector<16xf32>,
      %swap3A_133 = vector.shape_cast %swap3A_132 : vector<16xf32> to vector<16xf32>
      %swap3A_134 = vector.shape_cast %scan3A_73#6 : vector<16xf32> to vector<16xf32>
      tpu.vector_store %arg7[%swap3A_131], %swap3A_134 {strides = array<i32>} : memref<72xf32, #tpu.memory_space<vmem>>, vector<16xf32>,
      %swap3A_135 = arith.constant 56 : index
      %swap3A_136 = tpu.vector_load %arg7[%swap3A_135] {strides = array<i32>} : memref<72xf32, #tpu.memory_space<vmem>>, vector<16xf32>,
      %swap3A_137 = vector.shape_cast %swap3A_136 : vector<16xf32> to vector<16xf32>
      %swap3A_138 = vector.shape_cast %scan3A_73#7 : vector<16xf32> to vector<16xf32>
      tpu.vector_store %arg7[%swap3A_135], %swap3A_138 {strides = array<i32>} : memref<72xf32, #tpu.memory_space<vmem>>, vector<16xf32>,
      "tpu.region"() ({
        %run_scoped3A = tpu.sem_alloc : memref<!tpu.dma_semaphore, #tpu.memory_space<semaphore_mem>>
        %dma_start3A = arith.constant 0 : i32
        %dma_start3A_140 = tpu.memref_slice %arg3[%add3A_14, %dma_start3A] : memref<128x72xf32, #tpu.memory_space<hbm>> -> memref<1x72xf32, #tpu.memory_space<hbm>>
        %dma_start3A_141 = tpu.memref_squeeze %dma_start3A_140 : memref<1x72xf32, #tpu.memory_space<hbm>> -> memref<72xf32, #tpu.memory_space<hbm>>
        %dma_start3A_142 = arith.constant 0 : i32
        %dma_start3A_143 = tpu.memref_slice %arg3[%add3A_14, %dma_start3A_142] : memref<128x72xf32, #tpu.memory_space<hbm>> -> memref<1x72xf32, #tpu.memory_space<hbm>>
        %dma_start3A_144 = tpu.memref_squeeze %dma_start3A_143 : memref<1x72xf32, #tpu.memory_space<hbm>> -> memref<72xf32, #tpu.memory_space<hbm>>
        tpu.enqueue_dma source(%arg7 : memref<72xf32, #tpu.memory_space<vmem>>) target(%dma_start3A_144 : memref<72xf32, #tpu.memory_space<hbm>>) target_semaphore(%run_scoped3A : memref<!tpu.dma_semaphore, #tpu.memory_space<semaphore_mem>>)
        %dma_wait3A = arith.constant 0 : i32
        %dma_wait3A_145 = tpu.memref_slice %arg3[%add3A_14, %dma_wait3A] : memref<128x72xf32, #tpu.memory_space<hbm>> -> memref<1x72xf32, #tpu.memory_space<hbm>>
        %dma_wait3A_146 = tpu.memref_squeeze %dma_wait3A_145 : memref<1x72xf32, #tpu.memory_space<hbm>> -> memref<72xf32, #tpu.memory_space<hbm>>
        %dma_wait3A_147 = arith.constant 0 : i32
        %dma_wait3A_148 = tpu.memref_slice %arg3[%add3A_14, %dma_wait3A_147] : memref<128x72xf32, #tpu.memory_space<hbm>> -> memref<1x72xf32, #tpu.memory_space<hbm>>
        %dma_wait3A_149 = tpu.memref_squeeze %dma_wait3A_148 : memref<1x72xf32, #tpu.memory_space<hbm>> -> memref<72xf32, #tpu.memory_space<hbm>>
        tpu.wait_dma2 semaphore(%run_scoped3A : memref<!tpu.dma_semaphore, #tpu.memory_space<semaphore_mem>>) src(%arg7 : memref<72xf32, #tpu.memory_space<vmem>>) dst(%dma_wait3A_149 : memref<72xf32, #tpu.memory_space<hbm>>)
        tpu.yield
      }) : () -> ()
      %scan3A_139 = arith.constant 0 : i32
      scf.yield %scan3A_139 : i32
    }
    %scan3A_9 = arith.constant 4 : i32
    return
  }
}

</mosaic_0001>

<sc_bundles>
// kernel: kernel.3.cloned.1.call-start
scs
__scs_entry_jumppad:
0x0: {  	(pc) =	sbr.rel $0x88, $3  }
0x1: {  	(tag) =	ssettag $0x0;
	lr =	simm.s32 $0x1  }
0x2: {  	[smem:$0x3FA0] =	sst lr;
	_ =	strace $0xD0000000  }
0x3: {  	_ = 	snop  }
0x4: {  	_ = 	snop  }
0x5: {  	_ = 	snop  }
0x6: {  	_ = 	snop  }
0x7: {  	_ = 	snop  }
__scs_overlays_trampoline_lowered:
0x8: {  	[smem:$0x3FAF] =	sst s0  }
0x9: {  	[smem:$0x3FB0] =	sst s1  }
0xa: {  	[smem:$0x3FB1] =	sst s2  }
0xb: {  	[smem:$0x3FB2] =	sst s3  }
0xc: {  	[smem:$0x3FB3] =	sst s4  }
0xd: {  	[smem:$0x3FB4] =	sst s5  }
0xe: {  	[smem:$0x3FB5] =	sst s6  }
0xf: {  	[smem:$0x3FB6] =	sst s7  }
0x10: {  	[smem:$0x3FB7] =	sst s8  }
0x11: {  	[smem:$0x3FB8] =	sst s9;
	s0 =	simm.s32 @!p0 $0x0  }
0x12: {  	s1 =	sld [smem:$0x3F9E];
	s0 =	simm.s32 @p0 $0x1  }
0x13: {  	[smem:$0x3FB9] =	sst s0;
	s0 =	simm.s32 @!p1 $0x0  }
0x14: {  	s2 =	sld [smem:$0x3F9D];
	s0 =	simm.s32 @p1 $0x1  }
0x15: {  	[smem:$0x3FBA] =	sst s0;
	s0 =	simm.s32 @!p2 $0x0  }
0x16: {  	s3 =	sld [smem:$0x3FDB];
	s0 =	simm.s32 @p2 $0x1  }
0x17: {  	s4 =	simm.s32 $0x1BF5;
	[smem:$0x3FBC] =	sst s0  }
0x18: {  	s0 =	sld [smem:$0x3F9F];
	_ =	swait.ge [sflag:s4], $0x0  }
0x19: {  	s7 =	sld [smem:$0x3FA0]  }
0x1a: {  	s8 =	sadd.s32 $0xFFFFE003, lr  }
0x1b: {  	s9 =	sadd.s32 $0xFFFFFEF7, lr;
	s5 =	simm.s32 $0xFFFFFFFF;
	p2 =	slt.u32 s8, $0xFFFFF086  }
0x1c: {  	p1 =	slt.u32 s9, $0xF7A;
	s5 =	simm.s32 @!p2 $0x0  }
0x1d: {  	s5 =	simm.s32 @p1 $0x1;
	p0 =	seq.s32 s7, s2  }
0x1e: {  	s7 =	smul.u32 @!p0 $0xF7A, s2;
	p2 =	seq.s32 @!p0 s5, $0x0  }
0x1f: {  	s9 =	smul.u32 $0xF7A, s1;
	s8 =	simm.s32 @!p0 $0x1BF5;
	p2 =	por !p2, p0  }
0x20: {  	[sflag:s8] =	ssyncset.s32 @!p0 $0xFFFFF086;
	s6 =	sadd.s32 @!p0 s3, s7;
	s7 =	simm.s32 @!p0 $0x108  }
0x21: {  	s3 =	sadd.s32 s3, s9;
	s6 =	sadd.s32 @!p0 $0x88, s6;
	s7 =	simm.s32 @p2 $0x1082  }
0x22: {  	[simem:s7], [sflag:s8] =	dma.local @!p0 [hbm:s6], $0xF7A  }
0x23: {  	s9 =	sor.u32 $0xD0000000, s2;
	s6 =	simm.s32 $0x108;
	_ =	swait.ge @!p0 [sflag:s8], $0x0  }
0x24: {  	s3 =	sadd.s32 $0x88, s3;
	s6 =	simm.s32 @!p1 $0x1082;
	[sflag:s4] =	ssyncset.s32 $0xFFFFF086  }
0x25: {  	[simem:s6], [sflag:s4] =	dma.local [hbm:s3], $0xF7A  }
0x26: {  	[smem:$0x3FA0] =	sst s1;
	(tag) =	ssettag s2;
	_ =	strace s9  }
0x27: {  	s1 =	sld [smem:$0x3FB0]  }
0x28: {  	s2 =	sld [smem:$0x3FB1]  }
0x29: {  	s4 =	sld [smem:$0x3FB3]  }
0x2a: {  	p0 =	seq.s32 s5, $0x0;
	s5 =	sld [smem:$0x3FB4]  }
0x2b: {  	s6 =	sld [smem:$0x3FB5]  }
0x2c: {  	s7 =	sld [smem:$0x3FB6]  }
0x2d: {  	s3 =	simm.s32 $0x108;
	s8 =	sld [smem:$0x3FB7]  }
0x2e: {  	s3 =	simm.s32 @!p0 $0x1082;
	s9 =	sld [smem:$0x3FB8]  }
0x2f: {  	lr =	sadd.s32 s0, s3;
	s0 =	sld [smem:$0x3FAF]  }
0x30: {  	s3 =	sld [smem:$0x3FB2]  }
0x31: {  	[smem:$0x3FBB] =	sst s10  }
0x32: {  	s10 =	sld [smem:$0x3FB9];
	_ =	sdelay $0x3  }
0x33: {  	p0 =	seq.s32 s10, $0x1;
	s10 =	sld [smem:$0x3FBB];
	_ =	sdelay $0x3  }
0x34: {  	[smem:$0x3FBB] =	sst s10  }
0x35: {  	s10 =	sld [smem:$0x3FBA];
	_ =	sdelay $0x3  }
0x36: {  	p1 =	seq.s32 s10, $0x1;
	s10 =	sld [smem:$0x3FBB];
	_ =	sdelay $0x3  }
0x37: {  	[smem:$0x3FBB] =	sst s10  }
0x38: {  	s10 =	sld [smem:$0x3FBC]  }
0x39: {  	_ = 	snop;
	(pc) =	sbr.ind lr, $3  }
0x3a: {  	_ = 	snop  }
0x3b: {  	_ = 	snop  }
0x3c: {  	p2 =	seq.s32 s10, $0x1;
	s10 =	sld [smem:$0x3FBB]  }
0x3d: {  	_ =	shalt  }
0x3e: {  	_ =	shalt  }
0x3f: {  	_ =	shalt  }
0x40: {  	_ =	shalt  }
0x41: {  	_ =	shalt  }
0x42: {  	_ =	shalt  }
0x43: {  	_ =	shalt  }
0x44: {  	_ =	shalt  }
0x45: {  	_ =	shalt  }
0x46: {  	_ =	shalt  }
0x47: {  	_ =	shalt  }
0x48: {  	_ =	shalt  }
0x49: {  	_ =	shalt  }
0x4a: {  	_ =	shalt  }
0x4b: {  	_ =	shalt  }
0x4c: {  	_ =	shalt  }
0x4d: {  	_ =	shalt  }
0x4e: {  	_ =	shalt  }
0x4f: {  	_ =	shalt  }
0x50: {  	_ =	shalt  }
0x51: {  	_ =	shalt  }
0x52: {  	_ =	shalt  }
0x53: {  	_ =	shalt  }
0x54: {  	_ =	shalt  }
0x55: {  	_ =	shalt  }
0x56: {  	_ =	shalt  }
0x57: {  	_ =	shalt  }
0x58: {  	_ =	shalt  }
0x59: {  	_ =	shalt  }
0x5a: {  	_ =	shalt  }
0x5b: {  	_ =	shalt  }
0x5c: {  	_ =	shalt  }
0x5d: {  	_ =	shalt  }
0x5e: {  	_ =	shalt  }
0x5f: {  	_ =	shalt  }
0x60: {  	_ =	shalt  }
0x61: {  	_ =	shalt  }
0x62: {  	_ =	shalt  }
0x63: {  	_ =	shalt  }
0x64: {  	_ =	shalt  }
0x65: {  	_ =	shalt  }
0x66: {  	_ =	shalt  }
0x67: {  	_ =	shalt  }
0x68: {  	_ =	shalt  }
0x69: {  	_ =	shalt  }
0x6a: {  	_ =	shalt  }
0x6b: {  	_ =	shalt  }
0x6c: {  	_ =	shalt  }
0x6d: {  	_ =	shalt  }
0x6e: {  	_ =	shalt  }
0x6f: {  	_ =	shalt  }
0x70: {  	_ =	shalt  }
0x71: {  	_ =	shalt  }
0x72: {  	_ =	shalt  }
0x73: {  	_ =	shalt  }
0x74: {  	_ =	shalt  }
0x75: {  	_ =	shalt  }
0x76: {  	_ =	shalt  }
0x77: {  	_ =	shalt  }
0x78: {  	_ =	shalt  }
0x79: {  	_ =	shalt  }
0x7a: {  	_ =	shalt  }
0x7b: {  	_ =	shalt  }
0x7c: {  	_ =	shalt  }
0x7d: {  	_ =	shalt  }
0x7e: {  	_ =	shalt  }
0x7f: {  	_ =	shalt  }
0x80: {  	_ =	shalt  }
0x81: {  	_ =	shalt  }
0x82: {  	_ =	shalt  }
0x83: {  	_ =	shalt  }
0x84: {  	_ =	shalt  }
0x85: {  	_ =	shalt  }
0x86: {  	_ =	shalt  }
0x87: {  	_ =	shalt  }
.Lfunc_end0:
.L_simem_size_0:
called_computation_lowered:
.L_overlay_start_0:
0x88: {  	s2 =	sld [smem:$0x3FD9]  }
0x89: {  	s3 =	sld [smem:$0x3FFE];
	_ =	sdelay $0x1  }
0x8a: {  	s1 =	srdreg.scid  }
0x8b: {  	s0 =	sand.u32 $0x1, s1  }
0x8c: {  	s17 =	sshll.u32 s0, $0xA;
	s2 =	sadd.s32 s3, s2  }
0x8d: {  	s2 =	sadd.s32 s2, s17  }
0x8e: {  	[smem:$0x3FC7] =	sst s2  }
0x8f: {  	_ = 	snop  }
0x90: {  	s2 =	sld [smem:$0x3FC9];
	(tm) =	ssettm $0x1  }
0x91: {  	s18 =	sld [smem:$0x3FFB];
	_ =	sdelay $0x3  }
0x92: {  	_ =	strace s18  }
0x93: {  	s3 =	sld [smem:$0x3FFC];
	_ =	sdelay $0x3  }
0x94: {  	_ =	strace s3  }
0x95: {  	s3 =	sld [smem:$0x3FFD];
	_ =	sdelay $0x3  }
0x96: {  	_ =	strace s3  }
0x97: {  	_ =	strace $0x8FFFFFFF  }
0x98: {  	s19 =	sld [smem:$0x3FDB];
	_ =	sdelay $0x1  }
0x99: {  	s4 =	simm.s32 $_scs_section_size  }
0x9a: {  	s5 =	simm.s32 $_size__tile_overlayer_lowered;
	s6 =	simm.s32 $_tile_overlayer_lowered  }
0x9b: {  	s22 =	simm.s32 $0x1BFF;
	s21 =	sshll.u32 s6, $0x1;
	s3 =	sadd.s32 s4, s19  }
0x9c: {  	s7 =	simm.s32 $0x0;
	s20 =	sshll.u32 s5, $0x1;
	s5 =	sadd.s32 s21, s3  }
0x9d: {  	[timem:s7], [sflag:s22] =	dma.local [hbm:s5], s20  }
0x9e: {  	_ =	swait.ge [sflag:s22], s20  }
0x9f: {  	s4 =	ssub.s32 $0x0, s20;
	[sflag:s22] =	ssyncset.done $0x0  }
0xa0: {  	[sflag:s22] =	ssyncadd.s32 s4;
	_ =	sdelay $0x1  }
0xa1: {  	s23 =	simm.s32 $0x1B8B  }
0xa2: {  	_ =	swait.ge [sflag:s23], $0x1  }
0xa3: {  	[sflag:s23] =	ssyncset.done $0x0  }
0xa4: {  	s25 =	simm.s32 $0x1B8E;
	s24 =	sld [smem:$0x3FFE];
	[sflag:s23] =	ssyncadd.s32 $0xFFFFFFFF  }
0xa5: {  	s26 =	simm.s32 $execute0_lowered;
	[smem:$0x3FD2] =	sst s25  }
0xa6: {  	s5 =	sshll.u32 s26, $0x1;
	_ =	strace $0x80000046;
	[dreg:$0x1] =	wrdreg $0xFFFFFFFF  }
0xa7: {  	s28 =	simm.s32 $_size_execute0_lowered;
	s3 =	sadd.s32 s3, s5;
	[dreg:$0x0] =	wrdreg $0x0  }
0xa8: {  	s5 =	sshll.u32 s28, $0x1;
	[dreg:$0x2] =	wrdreg s3  }
0xa9: {  	[dreg:$0x3] =	wrdreg s5  }
0xaa: {  	[dreg:$0x4] =	wrdreg $0xC0  }
0xab: {  	_ =	task [dreg:s7], $0x5FFFF  }
0xac: {  	[dreg:$0x1] =	wrdreg $0xFFFFFFFF  }
0xad: {  	[dreg:$0x0] =	wrdreg $0x60  }
0xae: {  	[dreg:$0x2] =	wrdreg s2  }
0xaf: {  	[dreg:$0x3] =	wrdreg s24  }
0xb0: {  	[dreg:$0x4] =	wrdreg $0x9  }
0xb1: {  	_ =	task.clear_ibuf [dreg:s7], $0x5FFFF;
	_ =	strace $0x90000046  }
0xb2: {  	s29 =	simm.s32 $0x9;
	_ =	strace $0x80000048  }
0xb3: {  	_ =	swait.ge [sflag:s29], $0x1  }
0xb4: {  	[sflag:s29] =	ssyncadd.s32 $0xFFFFFFFF  }
0xb5: {  	_ =	strace $0x90000048  }
0xb6: {  	_ =	sfence  }
0xb7: {  	s30 =	sld [smem:$0x0];
	_ =	sdelay $0x2  }
0xb8: {  	s31 =	sshll.u32 s1, $0xD;
	s1 =	sshrl.u32 s1, $0x2  }
0xb9: {  	s3 =	sand.u32 $0x4000, s31;
	s1 =	sadd.s32 s1, s30  }
0xba: {  	s0 =	sor.u32 s3, s0;
	s1 =	sshll.u32 s1, $0x11  }
0xbb: {  	s0 =	sor.u32 s1, s0  }
0xbc: {  	s0 =	sadd.s32 $0x8F2B, s0  }
0xbd: {  	[sflag:s0] =	ssyncadd.remote.s32 $0x1  }
0xbe: {  	_ =	sfence.sel $0xFFFF  }
0xbf: {  	[dreg:$0x0] =	wrdreg $0xFFFFFFFF;
	(pc) =	sbr.abs _section_cstart, $3  }
0xc0: {  	[dreg:$0x1] =	wrdreg $0xFFFFFFFF  }
0xc1: {  	_ =	task.clear_ibuf [dreg:s7], $0x2FFFF;
	_ =	strace $0x9FFFFFFF  }
0xc2: {  	(tm) =	ssettm $0x7FFFFFFF  }
0xc3: {  	_ =	shalt  }
tec
execute0_lowered:
.L_overlay_start_1:
0x0: {  	(tag) =	ssettag $0x1  }
0x1: {  	v0 =	vimm.s32 $0xEFCDAB89  }
0x2: {  	v1 =	vimm.s32 $0x67452301;
	v2 =	vimm.s32 $0xDCFE98BA;
	v3 =	vimm.s32 $0x54761032  }
0x3: {  	v4 =	vimm.s32 $0xBA98FEDC;
	v5 =	vimm.s32 $0x32107654;
	v6 =	vimm.s32 $0xFEDCBA98  }
0x4: {  	s0 =	rddreg [dreg:$0x0];
	v7 =	vimm.s32 $0x76543210;
	vm0 =	vcmask $0x308;
	vm1 =	vcmask $0x70C  }
0x5: {  	s3 =	rddreg [dreg:$0x1];
	v0 =	vunpack.c.l.s4.s8 v0;
	v1 =	vunpack.c.l.s4.s8 v1;
	v2 =	vunpack.c.l.s4.s8 v2  }
0x6: {  	s4 =	srdreg.scid;
	s1 =	rddreg [dreg:$0x2];
	s2 =	simm.s32 $0x0;
	v3 =	vunpack.c.l.s4.s8 v3;
	v4 =	vunpack.c.l.s4.s8 v4;
	v5 =	vunpack.c.l.s4.s8 v5  }
0x7: {  	s9 =	simm.s32 $0x80;
	s10 =	simm.s32 $0x400;
	s11 =	simm.s32 $0x1;
	v6 =	vunpack.c.l.s4.s8 v6;
	v7 =	vunpack.c.l.s4.s8 v7;
	v0 =	vunpack.c.0.s8.s32 v0  }
.Ltmp0:
0x8: {  	s12 =	simm.s32 $0x18000;
	s5 =	sand.u32 $0x1, s4;
	v1 =	vunpack.c.0.s8.s32 v1;
	v2 =	vunpack.c.0.s8.s32 v2;
	v3 =	vunpack.c.0.s8.s32 v3;
	(pc) =	sbr.rel .LBB2_1-.Ltmp0, $4  }
0x9: {  	s13 =	simm.s32 $0x0;
	[smem:$0x7FF] =	sst s2;
	s6 =	ssub.s32 $0x2, s5;
	v4 =	vunpack.c.0.s8.s32 v4;
	v5 =	vunpack.c.0.s8.s32 v5;
	v6 =	vunpack.c.0.s8.s32 v6  }
0xa: {  	vm2 =	vcmask $0xB10;
	s4 =	sadd.s32 $0x400, s3;
	s3 =	stileid.u32;
	s7 =	sshrl.u32 s6, $0x1;
	v7 =	vunpack.c.0.s8.s32 v7;
	v0 =	vcombine.low v1, v0  }
0xb: {  	_ =	strace $0x80000047;
	s5 =	sshll.u32 s5, $0x9;
	s8 =	ssub.s32 s6, s7;
	v1 =	vcombine.low v3, v2;
	v2 =	vcombine.low v5, v4;
	v3 =	vand.u32 $0xF, v6  }
0xc: {  	s6 =	sshll.u32 s3, $0x12;
	s7 =	sshll.u32 s3, $0xA;
	s8 =	smax.u32 s8, $0x1;
	v4 =	vlaneseq.u32;
	v5 =	vimm.s32 $0x0;
	v3 =	vcombine.low v3, v7  }
.LBB2_23:
0xd: {  	s13 =	sadd.s32 $0x1, s13  }
0xe: {  	p0 =	sne.s32 s13, s8  }
.Ltmp1:
0xf: {  	_ = 	snop;
	(pc) =	sbr.rel @!p0 .LBB2_24-.Ltmp1, $1  }
0x10: {  	_ =	sdelay $0x3  }
.LBB2_1:
.Ltmp2:
0x11: {  	(pc) =	sbr.rel .LBB2_2-.Ltmp2, $2  }
0x12: {  	_ =	sdelay $0x2  }
0x13: {  	s14 =	simm.s32 $0x0  }
.LBB2_22:
0x14: {  	v13 =	vmul.f32 $1.000000010e-01, v13;
	_ =	sdelay $0x1  }
0x15: {  	v14 =	vshra.s32 v13, $0x1  }
0x16: {  	v14 =	vadd.s32 $0x1FBD1DF5, v14  }
0x17: {  	(erf) = vrcp.f32 v14;
	_ =	sdelay $0x8  }
0x18: {  	v15 =	vpop (erf)  }
0x19: {  	v15 =	vmul.f32 v15, v13;
	_ =	sdelay $0x1  }
0x1a: {  	v14 =	vadd.f32 v14, v15;
	_ =	sdelay $0x1  }
0x1b: {  	v14 =	vmul.f32 $5.000000000e-01, v14;
	_ =	sdelay $0x1  }
0x1c: {  	(erf) = vrcp.f32 v14;
	_ =	sdelay $0x8  }
0x1d: {  	v62 =	vpop (erf)  }
0x1e: {  	v15 =	vmul.f32 v62, v13;
	_ =	sdelay $0x1  }
0x1f: {  	v14 =	vadd.f32 v15, v14;
	_ =	sdelay $0x1  }
0x20: {  	v14 =	vmul.f32 $5.000000000e-01, v14;
	_ =	sdelay $0x1  }
0x21: {  	(erf) = vrcp.f32 v14;
	_ =	sdelay $0x8  }
0x22: {  	v63 =	vpop (erf)  }
0x23: {  	v13 =	vmul.f32 v63, v13;
	_ =	sdelay $0x1  }
0x24: {  	v13 =	vadd.f32 v13, v14;
	_ =	sdelay $0x1  }
0x25: {  	v12 =	vmul.f32 $1.000000010e-01, v12;
	v13 =	vmul.f32 $5.000000000e-01, v13  }
0x26: {  	vm3 =	vmmov $0x1  }
0x27: {  	v12 =	vnsel vm3, $0x0, v12;
	v13 =	vsel vm0, $0x0, v13  }
0x28: {  	v12 =	vadd.f32 v13, v12  }
0x29: {  	v10 =	vsel vm1, $0x0, v10  }
0x2a: {  	v10 =	vadd.f32 v12, v10  }
0x2b: {  	v11 =	vsel vm2, $0x0, v11;
	[tilespmem:$0x18018] =	vst v8  }
0x2c: {  	[tilespmem:$0x18028] =	vst v7;
	v10 =	vadd.f32 v10, v11  }
0x2d: {  	s15 =	sadd.s32 s7, s15;
	[tilespmem:$0x18038] =	vst v6;
	s14 =	sadd.s32 $0x1, s14  }
0x2e: {  	s15 =	sshrl.u32 s15, $0x3;
	p0 =	sne.s32 s14, $0x4;
	[tilespmem:$0x18000] =	vst v10  }
.Ltmp3:
0x2f: {  	s15 =	sadd.s32 s4, s15;
	[tilespmem:$0x18008] =	vst v9;
	(pc) =	sbr.rel @!p0 .LBB2_23-.Ltmp3, $4  }
0x30: {  	[hbm4b:s15+s2] =	stream.linear.scatter [tilespmem:s12], [sflag:$0x1], $0x80, $0x38;
	[tilespmem:$0x18080] =	vst v63  }
0x31: {  	_ =	swait.ge [sflag:s11], $0x80  }
0x32: {  	[sflag:s11] =	ssyncset.done $0x0  }
0x33: {  	[sflag:s11] =	ssyncadd.s32 $0xFFFFFF80  }
.LBB2_2:
0x34: {  	s15 =	sshll.u32 s14, $0x7  }
0x35: {  	s15 =	sadd.s32 s5, s15  }
0x36: {  	s16 =	sadd.s32 s6, s15  }
0x37: {  	s16 =	sshrl.u32 s16, $0x3  }
0x38: {  	s17 =	simm.s32 $0x0;
	s16 =	sadd.s32 s0, s16  }
0x39: {  	[tilespmem:s17], [sflag:$0x1] =	stream.strided.gather [hbm4b:s16+s9], $0x8000, s10, s9, $0x38;
	[tilespmem:$0x18080] =	vst v63  }
0x3a: {  	_ =	swait.ge [sflag:s11], $0x8000  }
0x3b: {  	[sflag:s11] =	ssyncset.done $0x0  }
0x3c: {  	s31 =	simm.s32 $0x0;
	[sflag:s11] =	ssyncadd.s32 $0xFFFF8000  }
0x3d: {  	v6 =	vld [tilespmem:s31+$0x0];
	_ =	sdelay $0x1  }
0x3e: {  	v7 =	vld [tilespmem:s31+$0x10];
	_ =	sdelay $0x1  }
0x3f: {  	v9 =	vimm.f32 $-Inf;
	v8 =	vld [tilespmem:s31+$0x20]  }
0x40: {  	v10 =	vmax.f32 v9, v6;
	v6 =	vmin.f32 v9, v6  }
0x41: {  	v13 =	vld [tilespmem:s31+$0x30];
	v11 =	vmax.f32 v9, v6  }
0x42: {  	v6 =	vmin.f32 v9, v6;
	v12 =	vmax.f32 v10, v7;
	v7 =	vmin.f32 v10, v7  }
0x43: {  	v14 =	vmax.f32 v9, v6;
	v6 =	vmin.f32 v9, v6;
	v15 =	vmax.f32 v11, v7  }
0x44: {  	v7 =	vmin.f32 v11, v7;
	v11 =	vmax.f32 v12, v8;
	v8 =	vmin.f32 v12, v8  }
0x45: {  	v10 =	vld [tilespmem:s31+$0x40];
	v6 =	vmax.f32 v9, v6;
	v9 =	vmin.f32 v14, v7;
	v12 =	vmax.f32 v15, v8  }
0x46: {  	v7 =	vmax.f32 v14, v7;
	v14 =	vmax.f32 v11, v13;
	v11 =	vmin.f32 v11, v13  }
0x47: {  	v8 =	vmin.f32 v15, v8;
	v15 =	vld [tilespmem:s31+$0x50];
	v9 =	vmax.f32 v6, v9;
	v13 =	vmax.f32 v12, v11  }
0x48: {  	v6 =	vld [tilespmem:s31+$0x60];
	v11 =	vmin.f32 v12, v11;
	v16 =	vmax.f32 v7, v8;
	v7 =	vmin.f32 v7, v8  }
0x49: {  	v7 =	vmax.f32 v9, v7;
	v9 =	vmax.f32 v16, v11;
	v11 =	vmin.f32 v16, v11  }
0x4a: {  	v12 =	vmin.f32 v14, v10;
	v11 =	vmax.f32 v7, v11;
	v7 =	vld [tilespmem:s31+$0x70]  }
0x4b: {  	v14 =	vmax.f32 v14, v10;
	v17 =	vmin.f32 v13, v12;
	v12 =	vmax.f32 v13, v12  }
0x4c: {  	v8 =	vmax.f32 v9, v17;
	v10 =	vmax.f32 v14, v15;
	v63 =	vmin.f32 v9, v17  }
0x4d: {  	s16 =	simm.s32 $0x200;
	v13 =	vmin.f32 v14, v15;
	v9 =	vmin.f32 v10, v6;
	v11 =	vmax.f32 v11, v63  }
.LBB2_3:
0x4e: {  	s17 =	sshra.s32 s16, $0x2;
	p0 =	sne.s32 s16, $0x1FE00;
	s16 =	sadd.s32 $0x200, s16;
	v14 =	vmax.f32 v12, v13;
	v12 =	vmin.f32 v12, v13;
	v6 =	vmax.f32 v10, v6  }
0x4f: {  	v10 =	vld [tilespmem:s17+$0x0];
	v13 =	vmax.f32 v8, v12;
	v8 =	vmin.f32 v8, v12;
	v12 =	vmax.f32 v6, v7  }
0x50: {  	v15 =	vld [tilespmem:s17+$0x10];
	v8 =	vmax.f32 v11, v8;
	v11 =	vmax.f32 v14, v9;
	v9 =	vmin.f32 v14, v9  }
0x51: {  	v6 =	vmin.f32 v6, v7;
	v14 =	vmax.f32 v13, v9;
	v9 =	vmin.f32 v13, v9  }
0x52: {  	v7 =	vld [tilespmem:s17+$0x20];
	v8 =	vmax.f32 v8, v9;
	v9 =	vmax.f32 v11, v6;
	v6 =	vmin.f32 v11, v6  }
0x53: {  	v11 =	vmax.f32 v14, v6;
	v6 =	vmin.f32 v14, v6  }
0x54: {  	v13 =	vmax.f32 v12, v10;
	v10 =	vmin.f32 v12, v10;
	v6 =	vmax.f32 v8, v6  }
0x55: {  	v8 =	vmax.f32 v9, v10;
	v9 =	vmin.f32 v9, v10;
	v10 =	vmax.f32 v13, v15;
	v12 =	vld [tilespmem:s17+$0x30]  }
0x56: {  	v14 =	vmax.f32 v11, v9;
	v9 =	vmin.f32 v11, v9;
	v11 =	vmin.f32 v13, v15;
	v13 =	vld [tilespmem:s17+$0x40]  }
0x57: {  	v15 =	vmax.f32 v8, v11;
	v8 =	vmin.f32 v8, v11;
	v11 =	vmax.f32 v10, v7  }
0x58: {  	v6 =	vmax.f32 v6, v9;
	v7 =	vmin.f32 v10, v7;
	v9 =	vmin.f32 v14, v8  }
0x59: {  	v10 =	vmax.f32 v15, v7;
	v7 =	vmin.f32 v15, v7;
	v9 =	vmax.f32 v6, v9;
	v15 =	vld [tilespmem:s17+$0x50]  }
0x5a: {  	v8 =	vmax.f32 v14, v8;
	v14 =	vmax.f32 v11, v12;
	v11 =	vmin.f32 v11, v12;
	v6 =	vld [tilespmem:s17+$0x60]  }
0x5b: {  	v12 =	vmax.f32 v10, v11;
	v10 =	vmin.f32 v10, v11;
	v11 =	vmin.f32 v14, v13  }
.Ltmp4:
0x5c: {  	v16 =	vmax.f32 v8, v7;
	v7 =	vmin.f32 v8, v7;
	v17 =	vmin.f32 v12, v11;
	(pc) =	sbr.rel @p0 .LBB2_3-.Ltmp4, $4  }
0x5d: {  	v9 =	vmax.f32 v9, v7;
	v13 =	vmax.f32 v14, v13;
	v18 =	vmax.f32 v16, v10;
	v7 =	vld [tilespmem:s17+$0x70]  }
0x5e: {  	v14 =	vmin.f32 v16, v10;
	v8 =	vmax.f32 v18, v17;
	v10 =	vmax.f32 v13, v15  }
0x5f: {  	v14 =	vmax.f32 v9, v14;
	v16 =	vmin.f32 v18, v17;
	v9 =	vmin.f32 v10, v6  }
0x60: {  	v12 =	vmax.f32 v12, v11;
	v11 =	vmax.f32 v14, v16;
	v13 =	vmin.f32 v13, v15  }
0x61: {  	v14 =	vmin.f32 v12, v13;
	v59 =	vmax.f32 v12, v13;
	v6 =	vmax.f32 v10, v6  }
0x62: {  	v60 =	vmin.f32 v8, v14;
	v8 =	vmax.f32 v8, v14;
	v62 =	vmax.f32 v59, v9  }
0x63: {  	v63 =	vmin.f32 v59, v9;
	v6 =	vmin.f32 v6, v7;
	v61 =	vmax.f32 v11, v60  }
0x64: {  	v7 =	vmax.f32 v8, v63;
	v8 =	vmin.f32 v8, v63;
	v6 =	vmin.f32 v62, v6  }
0x65: {  	v8 =	vmax.f32 v61, v8;
	v6 =	vmin.f32 v7, v6  }
0x66: {  	v6 =	vmax.f32 v8, v6  }
0x67: {  	v7 =	vperm.xlane v6, v0;
	_ =	sdelay $0x1  }
0x68: {  	v6 =	vmin.f32 v6, v7  }
0x69: {  	v7 =	vperm.xlane v6, v1;
	_ =	sdelay $0x1  }
0x6a: {  	v6 =	vmin.f32 v6, v7  }
0x6b: {  	v7 =	vperm.xlane v6, v2;
	_ =	sdelay $0x1  }
0x6c: {  	v6 =	vmin.f32 v6, v7  }
0x6d: {  	v7 =	vperm.xlane v6, v3;
	_ =	sdelay $0x1  }
0x6e: {  	v6 =	vmin.f32 v6, v7  }
0x6f: {  	(v2sf) =	vpush v6, $0x0;
	_ =	sdelay $0xa  }
.Ltmp5:
0x70: {  	_ = 	snop;
	(pc) =	sbr.rel .LBB2_5-.Ltmp5, $3  }
0x71: {  	_ =	sdelay $0x1  }
0x72: {  	s19 =	simm.s32 $0x0  }
0x73: {  	s17 =	simm.s32 $0x70;
	s18 =	simm.s32 $0x40;
	v6 =	vbroadcast v6, $0x0;
	s16 =	spop (v2sf)  }
.LBB2_7:
0x74: {  	s17 =	sadd.s32 $0x80, s17  }
0x75: {  	p0 =	sne.s32 s17, $0x8070  }
.Ltmp6:
0x76: {  	_ = 	snop;
	(pc) =	sbr.rel @!p0 .LBB2_8-.Ltmp6, $2  }
0x77: {  	_ =	sdelay $0x2  }
0x78: {  	s18 =	sadd.s32 $0x80, s18  }
.LBB2_5:
0x79: {  	v14 =	vld [tilespmem:s18+$0xFFFFFFC0]  }
0x7a: {  	v13 =	vld [tilespmem:s18+$0xFFFFFFD0]  }
0x7b: {  	v12 =	vld [tilespmem:s18+$0xFFFFFFE0]  }
0x7c: {  	v11 =	vld [tilespmem:s18+$0xFFFFFFF0]  }
0x7d: {  	v10 =	vld [tilespmem:s18+$0x0]  }
0x7e: {  	v9 =	vld [tilespmem:s18+$0x10]  }
0x7f: {  	v8 =	vld [tilespmem:s18+$0x20];
	v15 =	vmax.f32 v14, v13  }
0x80: {  	v7 =	vld [tilespmem:s18+$0x30];
	v15 =	vmax.f32 v15, v12  }
0x81: {  	v15 =	vmax.f32 v15, v11  }
0x82: {  	v15 =	vmax.f32 v15, v10  }
0x83: {  	v15 =	vmax.f32 v15, v9  }
0x84: {  	v15 =	vmax.f32 v15, v8  }
0x85: {  	v15 =	vmax.f32 v15, v7  }
0x86: {  	v16 =	vperm.xlane v15, v0;
	_ =	sdelay $0x1  }
0x87: {  	v15 =	vmax.f32 v15, v16  }
0x88: {  	v16 =	vperm.xlane v15, v1;
	_ =	sdelay $0x1  }
0x89: {  	v15 =	vmax.f32 v15, v16  }
0x8a: {  	v16 =	vperm.xlane v15, v2;
	_ =	sdelay $0x1  }
0x8b: {  	v15 =	vmax.f32 v15, v16  }
0x8c: {  	v16 =	vperm.xlane v15, v3;
	_ =	sdelay $0x1  }
0x8d: {  	v15 =	vmax.f32 v15, v16  }
0x8e: {  	(v2sf) =	vpush v15, $0x0;
	_ =	sdelay $0xe  }
0x8f: {  	s20 =	spop (v2sf)  }
0x90: {  	p0 =	sge.f32 s20, s16  }
.Ltmp7:
0x91: {  	_ = 	snop;
	(pc) =	sbr.rel @!p0 .LBB2_7-.Ltmp7, $1  }
0x92: {  	_ =	sdelay $0x3  }
0x93: {  	vm3 =	vge.f32 v14, v6;
	vm4 =	vge.f32 v13, v6  }
0x94: {  	v15 =	vsel vm3, $0x1, v5;
	v16 =	vsel vm4, $0x2, v5;
	vm3 =	vge.f32 v12, v6  }
0x95: {  	v15 =	vor.u32 v15, v16;
	v58 =	vsel vm3, $0x4, v5;
	vm3 =	vge.f32 v11, v6  }
0x96: {  	v15 =	vor.u32 v58, v15;
	v59 =	vsel vm3, $0x8, v5;
	vm3 =	vge.f32 v10, v6  }
0x97: {  	v15 =	vor.u32 v59, v15;
	v60 =	vsel vm3, $0x10, v5;
	vm3 =	vge.f32 v9, v6  }
0x98: {  	v15 =	vor.u32 v60, v15;
	v61 =	vsel vm3, $0x20, v5;
	vm3 =	vge.f32 v8, v6  }
0x99: {  	v15 =	vor.u32 v61, v15;
	v62 =	vsel vm3, $0x40, v5;
	vm3 =	vge.f32 v7, v6  }
0x9a: {  	v15 =	vor.u32 v62, v15;
	v63 =	vsel vm3, $0x80, v5  }
0x9b: {  	v15 =	vor.u32 v63, v15  }
0x9c: {  	v16 =	vperm.xlane v15, v0;
	_ =	sdelay $0x1  }
0x9d: {  	v15 =	vor.u32 v15, v16  }
0x9e: {  	v16 =	vperm.xlane v15, v1;
	_ =	sdelay $0x1  }
0x9f: {  	v15 =	vor.u32 v16, v15  }
0xa0: {  	v16 =	vperm.xlane v15, v2;
	_ =	sdelay $0x1  }
0xa1: {  	v15 =	vor.u32 v16, v15  }
0xa2: {  	v16 =	vperm.xlane v15, v3;
	_ =	sdelay $0x1  }
0xa3: {  	v15 =	vor.u32 v16, v15  }
0xa4: {  	(v2sf) =	vpush v15, $0x0;
	_ =	sdelay $0xe  }
0xa5: {  	s20 =	spop (v2sf)  }
0xa6: {  	s21 =	sand.u32 $0x1, s20  }
0xa7: {  	p1 =	seq.s32 s21, $0x0  }
0xa8: {  	s25 =	sand.u32 $0x2, s20;
	vm3 =	vge.f32 @!p1 v14, v6  }
0xa9: {  	s22 =	sadd.s32 $0xFFFFFF90, s17;
	p0 =	seq.s32 s25, $0x0;
	v15 =	vlaneseq.u32 @!p1;
	v14 =	vnsel @!p1 vm3, $0xFF800000, v14  }
0xaa: {  	s26 =	sand.u32 $0x4, s20;
	s21 =	sadd.s32 @!p1 $0x10, s19;
	vm3 =	vge.f32 @!p0 v13, v6;
	[tilespmem:s19+$0x8000] =	vst @!p1 v14;
	v14 =	vor.u32 @!p1 s22, v15  }
0xab: {  	s23 =	sadd.s32 $0xFFFFFFA0, s17;
	s21 =	smov.u32 @p1 s19;
	v13 =	vnsel @!p0 vm3, $0xFF800000, v13;
	[tilespmem:s19+$0x10000] =	vst @!p1 v14;
	v14 =	vlaneseq.u32 @!p0;
	p1 =	seq.s32 s26, $0x0  }
0xac: {  	s28 =	sand.u32 $0x8, s20;
	s19 =	sadd.s32 @!p0 $0x10, s21;
	[tilespmem:s21+$0x8000] =	vst @!p0 v13;
	v13 =	vor.u32 @!p0 s23, v14;
	vm3 =	vge.f32 @!p1 v12, v6  }
0xad: {  	s23 =	sadd.s32 $0xFFFFFFB0, s17;
	s19 =	smov.u32 @p0 s21;
	[tilespmem:s21+$0x10000] =	vst @!p0 v13;
	v12 =	vnsel @!p1 vm3, $0xFF800000, v12;
	v13 =	vlaneseq.u32 @!p1;
	p0 =	seq.s32 s28, $0x0  }
0xae: {  	s29 =	sand.u32 $0x10, s20;
	s21 =	sadd.s32 @!p1 $0x10, s19;
	[tilespmem:s19+$0x8000] =	vst @!p1 v12;
	v12 =	vor.u32 @!p1 s23, v13;
	vm3 =	vge.f32 @!p0 v11, v6  }
0xaf: {  	s23 =	sadd.s32 $0xFFFFFFC0, s17;
	s21 =	smov.u32 @p1 s19;
	[tilespmem:s19+$0x10000] =	vst @!p1 v12;
	v11 =	vnsel @!p0 vm3, $0xFF800000, v11;
	v12 =	vlaneseq.u32 @!p0;
	p1 =	seq.s32 s29, $0x0  }
0xb0: {  	s30 =	sand.u32 $0x20, s20;
	s19 =	sadd.s32 @!p0 $0x10, s21;
	[tilespmem:s21+$0x8000] =	vst @!p0 v11;
	v11 =	vor.u32 @!p0 s23, v12;
	vm3 =	vge.f32 @!p1 v10, v6  }
0xb1: {  	s23 =	sadd.s32 $0xFFFFFFD0, s17;
	s19 =	smov.u32 @p0 s21;
	[tilespmem:s21+$0x10000] =	vst @!p0 v11;
	v10 =	vnsel @!p1 vm3, $0xFF800000, v10;
	v11 =	vlaneseq.u32 @!p1;
	p0 =	seq.s32 s30, $0x0  }
0xb2: {  	s31 =	sand.u32 $0x40, s20;
	s21 =	sadd.s32 @!p1 $0x10, s19;
	[tilespmem:s19+$0x8000] =	vst @!p1 v10;
	v10 =	vor.u32 @!p1 s23, v11;
	vm3 =	vge.f32 @!p0 v9, v6  }
0xb3: {  	s23 =	sadd.s32 $0xFFFFFFE0, s17;
	s21 =	smov.u32 @p1 s19;
	[tilespmem:s19+$0x10000] =	vst @!p1 v10;
	v9 =	vnsel @!p0 vm3, $0xFF800000, v9;
	v10 =	vlaneseq.u32 @!p0;
	p1 =	seq.s32 s31, $0x0  }
0xb4: {  	s20 =	sand.u32 $0x80, s20;
	s22 =	sadd.s32 $0xFFFFFFF0, s17;
	s19 =	sadd.s32 @!p0 $0x10, s21;
	[tilespmem:s21+$0x8000] =	vst @!p0 v9;
	v9 =	vor.u32 @!p0 s23, v10;
	vm3 =	vge.f32 @!p1 v8, v6  }
.Ltmp8:
0xb5: {  	s19 =	smov.u32 @p0 s21;
	[tilespmem:s21+$0x10000] =	vst @!p0 v9;
	v8 =	vnsel @!p1 vm3, $0xFF800000, v8;
	v9 =	vlaneseq.u32 @!p1;
	p0 =	seq.s32 s20, $0x0;
	(pc) =	sbr.rel .LBB2_7-.Ltmp8, $4  }
0xb6: {  	s20 =	sadd.s32 @!p1 $0x10, s19;
	[tilespmem:s19+$0x8000] =	vst @!p1 v8;
	v8 =	vor.u32 @!p1 s22, v9;
	vm3 =	vge.f32 @!p0 v7, v6  }
0xb7: {  	s20 =	smov.u32 @p1 s19;
	[tilespmem:s19+$0x10000] =	vst @!p1 v8;
	v7 =	vnsel @!p0 vm3, $0xFF800000, v7;
	v8 =	vlaneseq.u32 @!p0  }
0xb8: {  	s19 =	sadd.s32 @!p0 $0x10, s20;
	[tilespmem:s20+$0x8000] =	vst @!p0 v7;
	v7 =	vor.u32 @!p0 s17, v8  }
0xb9: {  	s19 =	smov.u32 @p0 s20;
	[tilespmem:s20+$0x10000] =	vst @!p0 v7  }
.LBB2_8:
0xba: {  	s16 =	sand.u32 $0xF, s19  }
0xbb: {  	s31 =	sshra.s32 s19, $0x1F;
	p1 =	slt.s32 s19, $0x1;
	p0 =	sne.s32 s16, $0x0  }
.Ltmp9:
0xbc: {  	s16 =	sshrl.u32 s31, $0x1C;
	p0 =	por !p1, !p0;
	(pc) =	sbr.rel .LBB2_9-.Ltmp9, $4  }
0xbd: {  	s17 =	simm.s32 $0x1;
	s16 =	sadd.s32 s16, s19;
	p0 =	por !p0, !p0  }
0xbe: {  	v6 =	vimm.f32 $0.0e+00;
	v7 =	vimm.f32 $0.0e+00;
	s16 =	sshra.s32 s16, $0x4;
	s17 =	simm.s32 @!p0 $0x0  }
0xbf: {  	v8 =	vimm.f32 $0.0e+00;
	v9 =	vimm.f32 $0.0e+00;
	v10 =	vimm.f32 $0.0e+00;
	s16 =	ssub.s32 s16, s17  }
0xc0: {  	v11 =	vimm.f32 $0.0e+00;
	v12 =	vimm.f32 $0.0e+00;
	v13 =	vimm.f32 $0.0e+00;
	s17 =	simm.s32 $0x0;
	p0 =	slt.s32 s16, $0x1  }
.LBB2_20:
0xc1: {  	vm3 =	veq.f32 v16, v14;
	vm4 =	veq.s32 v17, v15  }
0xc2: {  	vm3 =	vmand vm3, vm4  }
0xc3: {  	v16 =	vsel vm3, $0xFF800000, v16  }
0xc4: {  	[tilespmem:s18+$0x0] =	vst v16  }
.LBB2_21:
0xc5: {  	v15 =	vcvt.s32.f32 v15  }
0xc6: {  	v16 =	vmul.f32 v14, v14;
	p1 =	slt.u32 s17, $0xA;
	v59 =	vmov s17;
	s18 =	sadd.s32 $0xFFFFFFF0, s17;
	v14 =	vand.u32 $0x7FFFFFFF, v14;
	s30 =	sadd.s32 $0xFFFFFFE0, s17  }
0xc7: {  	s31 =	sadd.s32 $0xFFFFFFD0, s17;
	p6 =	seq.s32 s17, $0x0;
	s17 =	sadd.s32 $0x1, s17;
	vm3 =	veq.s32 v59, v4;
	v60 =	vmov s18;
	v62 =	vmov s30  }
0xc8: {  	v63 =	vmov s31;
	v11 =	vpsel p6, v14, v11;
	p2 =	sne.s32 s17, $0x32;
	v16 =	vpsel !p1, $0x0, v16  }
.Ltmp10:
0xc9: {  	v17 =	vpsel !p1, $0x0, v15;
	v61 =	vnsel vm3, $0x0, v15;
	vm3 =	veq.s32 v60, v4;
	(pc) =	sbr.rel @!p2 .LBB2_22-.Ltmp10, $4  }
0xca: {  	v13 =	vadd.f32 v16, v13;
	v18 =	vnsel vm3, $0x0, v15;
	vm3 =	veq.s32 v62, v4  }
0xcb: {  	v12 =	vadd.f32 v17, v12;
	v14 =	vnsel vm3, $0x0, v15;
	vm3 =	veq.s32 v63, v4  }
0xcc: {  	v9 =	vadd.f32 v61, v9;
	v8 =	vadd.f32 v18, v8;
	v16 =	vnsel vm3, $0x0, v15  }
0xcd: {  	v10 =	vpsel p6, v15, v10;
	v7 =	vadd.f32 v14, v7;
	v6 =	vadd.f32 v16, v6  }
.LBB2_9:
.Ltmp11:
0xce: {  	(pc) =	sbr.rel @p0 .LBB2_13-.Ltmp11, $2  }
0xcf: {  	_ =	sdelay $0x2  }
0xd0: {  	v14 =	vimm.f32 $-Inf;
	s18 =	simm.s32 $0x8000  }
0xd1: {  	p1 =	sne.s32 s16, $0x1  }
.Ltmp12:
0xd2: {  	_ = 	snop;
	(pc) =	sbr.rel @!p1 .LBB2_12-.Ltmp12, $2  }
0xd3: {  	_ =	sdelay $0x2  }
0xd4: {  	s19 =	sadd.s32 $0xFFFFFFFF, s16;
	v15 =	vld [tilespmem:s18+$0x0]  }
.LBB2_11:
0xd5: {  	p1 =	sne.s32 s19, $0x1  }
.Ltmp13:
0xd6: {  	_ = 	snop;
	(pc) =	sbr.rel @p1 .LBB2_11-.Ltmp13, $3  }
0xd7: {  	_ =	sdelay $0x1  }
0xd8: {  	s19 =	sadd.s32 $0xFFFFFFFF, s19;
	s18 =	sadd.s32 $0x10, s18;
	v14 =	vmax.f32 v14, v15  }
0xd9: {  	v15 =	vld [tilespmem:s18+$0x0]  }
.LBB2_12:
0xda: {  	_ =	sdelay $0x3  }
0xdb: {  	v14 =	vmax.f32 v14, v15  }
.LBB2_13:
0xdc: {  	v15 =	vperm.xlane v14, v0;
	_ =	sdelay $0x1  }
0xdd: {  	v14 =	vmax.f32 v14, v15  }
0xde: {  	v15 =	vperm.xlane v14, v1;
	_ =	sdelay $0x1  }
0xdf: {  	v14 =	vmax.f32 v14, v15  }
0xe0: {  	v15 =	vperm.xlane v14, v2  }
.Ltmp14:
0xe1: {  	_ = 	snop;
	(pc) =	sbr.rel @p0 .LBB2_17-.Ltmp14, $3  }
0xe2: {  	v14 =	vmax.f32 v14, v15  }
0xe3: {  	v15 =	vperm.xlane v14, v3;
	_ =	sdelay $0x1  }
0xe4: {  	v14 =	vmax.f32 v14, v15;
	v15 =	vimm.s32 $0x3FFFFFFF  }
0xe5: {  	s18 =	simm.s32 $0x8000  }
0xe6: {  	p1 =	sne.s32 s16, $0x1;
	v17 =	vld [tilespmem:s18+$0x0];
	s18 =	simm.s32 $0x10000  }
.Ltmp15:
0xe7: {  	v16 =	vld [tilespmem:s18+$0x0];
	(pc) =	sbr.rel @!p1 .LBB2_16-.Ltmp15, $2  }
0xe8: {  	_ =	sdelay $0x2  }
0xe9: {  	s19 =	sadd.s32 $0xFFFFFFFF, s16;
	s20 =	simm.s32 $0x8010;
	vm3 =	veq.f32 v17, v14  }
.LBB2_15:
0xea: {  	v17 =	vld [tilespmem:s20+$0x0];
	p1 =	sne.s32 s19, $0x1;
	s19 =	sadd.s32 $0xFFFFFFFF, s19;
	v18 =	vnsel vm3, $0x3FFFFFFF, v16;
	s18 =	sadd.s32 $0x10, s18  }
.Ltmp16:
0xeb: {  	v16 =	vld [tilespmem:s18+$0x0];
	vm3 =	vlt.s32 v15, v18;
	(pc) =	sbr.rel @p1 .LBB2_15-.Ltmp16, $2  }
0xec: {  	v15 =	vsel vm3, v15, v18;
	_ =	sdelay $0x2  }
0xed: {  	s20 =	sadd.s32 $0x10, s20;
	vm3 =	veq.f32 v17, v14  }
.LBB2_16:
0xee: {  	v16 =	vnsel vm3, $0x3FFFFFFF, v16  }
0xef: {  	vm3 =	vlt.s32 v15, v16  }
0xf0: {  	v15 =	vsel vm3, v15, v16  }
.LBB2_17:
0xf1: {  	v16 =	vperm.xlane v15, v0;
	_ =	sdelay $0x1  }
0xf2: {  	vm3 =	vlt.s32 v15, v16  }
0xf3: {  	v15 =	vsel vm3, v15, v16  }
0xf4: {  	v16 =	vperm.xlane v15, v1;
	_ =	sdelay $0x1  }
0xf5: {  	vm3 =	vlt.s32 v15, v16  }
0xf6: {  	v15 =	vsel vm3, v15, v16  }
0xf7: {  	v16 =	vperm.xlane v15, v2;
	_ =	sdelay $0x1  }
0xf8: {  	vm3 =	vlt.s32 v15, v16  }
.Ltmp17:
0xf9: {  	v15 =	vsel vm3, v15, v16;
	(pc) =	sbr.rel @p0 .LBB2_21-.Ltmp17, $3  }
0xfa: {  	v16 =	vperm.xlane v15, v3;
	_ =	sdelay $0x1  }
0xfb: {  	vm3 =	vlt.s32 v15, v16  }
0xfc: {  	v15 =	vsel vm3, v15, v16  }
0xfd: {  	s18 =	simm.s32 $0x8000  }
0xfe: {  	s19 =	simm.s32 $0x10000;
	p1 =	sne.s32 s16, $0x1;
	v16 =	vld [tilespmem:s18+$0x0]  }
.Ltmp18:
0xff: {  	v17 =	vld [tilespmem:s19+$0x0];
	(pc) =	sbr.rel @!p1 .LBB2_20-.Ltmp18, $2  }
0x100: {  	_ =	sdelay $0x2  }
0x101: {  	s20 =	sadd.s32 $0xFFFFFFFF, s16  }
.LBB2_19:
0x102: {  	p1 =	sne.s32 s20, $0x1;
	_ =	sdelay $0x3  }
0x103: {  	vm3 =	veq.f32 v16, v14;
	vm4 =	veq.s32 v17, v15  }
.Ltmp19:
0x104: {  	vm3 =	vmand vm3, vm4;
	(pc) =	sbr.rel @p1 .LBB2_19-.Ltmp19, $4  }
0x105: {  	v16 =	vsel vm3, $0xFF800000, v16  }
0x106: {  	[tilespmem:s18+$0x0] =	vst v16;
	s18 =	sadd.s32 $0x10, s18  }
0x107: {  	s19 =	sadd.s32 $0x10, s19;
	v16 =	vld [tilespmem:s18+$0x0]  }
0x108: {  	s20 =	sadd.s32 $0xFFFFFFFF, s20;
	v17 =	vld [tilespmem:s19+$0x0]  }
.Ltmp20:
0x109: {  	_ = 	snop;
	(pc) =	sbr.rel .LBB2_20-.Ltmp20, $1  }
0x10a: {  	_ =	sdelay $0x3  }
.LBB2_24:
0x10b: {  	_ =	sfence.sel $0x180000  }
0x10c: {  	[bflag:$0x0] =	sbarrier.arrive $0xFFFF  }
0x10d: {  	p0 =	sne.s32 s3, $0x0;
	_ =	strace $0x90000047  }
0x10e: {  	s0 =	sadd.s32 @!p0 $0x100000, s1;
	[bflag:$0x2] =	sbarrier.arrive $0xFFFF  }
0x10f: {  	[sflag:s0] =	ssyncadd.tile.s32 @!p0 $0x1;
	_ =	shalt  }
.Lfunc_end2:
_tile_overlayer_lowered:
.L_overlay_start_2:
0x110: {  	(tag) =	ssettag $0x2  }
0x111: {  	s0 =	rddreg [dreg:$0x0];
	s2 =	stileid.u32  }
0x112: {  	s1 =	rddreg [dreg:$0x1];
	p0 =	sne.s32 s2, $0x0  }
0x113: {  	s3 =	rddreg [dreg:$0x2];
	[bflag:$0x3] =	sbarrier.arrive $0xFFFF;
	s2 =	simm.s32 @!p0 $0x1C01  }
0x114: {  	[timem:s3], [sflag:s2] =	dma.local @!p0 [hbm:s0], s1  }
0x115: {  	s0 =	simm.s32 @!p0 $0x1  }
0x116: {  	_ =	swait.ge @!p0 [sflag:s0], s1  }
0x117: {  	s1 =	ssub.s32 @!p0 $0x0, s1;
	[sflag:s0] =	ssyncset.done @!p0 $0x0  }
0x118: {  	[sflag:s0] =	ssyncadd.s32 @!p0 s1  }
0x119: {  	[bflag:$0x3] =	sbarrier.arrive $0xFFFF  }
0x11a: {  	_ =	shalt  }

</sc_bundles>
